<compile_context>
chip_gen: v7x
topology: tpu7x:2x2x1
jax: 0.10.2.dev20260603
libtpu: 0.0.44.dev20260713+nightly
codegen_flags: <defaults>
</compile_context>

<pallas_src>
import functools

import jax
import jax.numpy as jnp
from jax import lax
from jax.experimental import pallas as pl
from jax.experimental.pallas import tpu as pltpu
from jax.experimental.pallas import tpu_sc as plsc

B = 256
F = 128
L = 16


def _fm_body(user_hbm, item_hbm, eu_hbm, ei_hbm, ub_hbm, ib_hbm, bias_hbm,
             out_hbm, yfm_hbm, uidx_v, iidx_v, eu_v, ei_v, ub_v, ib_v,
             bias1_v, yv_v, stage_v, out_v, sem_i, sem_e, sem_b, sem_s):
    c = lax.axis_index("c")
    s = lax.axis_index("s")
    base = s * L

    with jax.named_scope("ph_idx"):
        u_cp = pltpu.async_copy(user_hbm.at[pl.ds(base, L)], uidx_v, sem_i)
        i_cp = pltpu.async_copy(item_hbm.at[pl.ds(base, L)], iidx_v, sem_i)
        u_cp.wait()
        i_cp.wait()
    uidx = uidx_v
    iidx = iidx_v
    eu_cp = pltpu.async_copy(eu_hbm.at[uidx], eu_v, sem_e)
    ei_cp = pltpu.async_copy(ei_hbm.at[iidx], ei_v, sem_e)
    ub_cp = pltpu.async_copy(ub_hbm.at[uidx], ub_v, sem_b)
    ib_cp = pltpu.async_copy(ib_hbm.at[iidx], ib_v, sem_b)
    b_cp = pltpu.async_copy(bias_hbm, bias1_v, sem_b)
    with jax.named_scope("ph_gather_wait"):
        eu_cp.wait()
        ei_cp.wait()

    iota = lax.iota(jnp.int32, L)

    def yfm_step(f, acc):
        a0, a1, a2, a3 = acc
        f4 = 4 * f
        cols = [jnp.full((L,), f4 + k, jnp.int32) for k in range(4)]
        prods = [plsc.load_gather(eu_v, [iota, cols[k]])
                 * plsc.load_gather(ei_v, [iota, cols[k]]) for k in range(4)]
        return (a0 + prods[0], a1 + prods[1], a2 + prods[2], a3 + prods[3])

    with jax.named_scope("ph_yfm"):
        zero = jnp.zeros((L,), jnp.float32)
        acc = lax.fori_loop(0, F // 4, yfm_step, (zero, zero, zero, zero))
        yv_v[...] = (acc[0] + acc[1]) + (acc[2] + acc[3])

    with jax.named_scope("ph_publish"):
        ub_cp.wait()
        ib_cp.wait()
        b_cp.wait()

    yfm = [stage_v[cc, pl.ds(0, L)] for cc in range(B // L)]
    bias_splat = plsc.load_gather(bias1_v, [jnp.zeros((L,), jnp.int32)])

    def out_row(r, carry):
        lr = c * 8 + r
        lane = jnp.full((L,), lr, jnp.int32)
        csplat = (plsc.load_gather(ub_v, [lane])
                  + plsc.load_gather(ib_v, [lane]) + bias_splat)
        for cc in range(B // L):
            if cc < F // L:
                emb = eu_v[lr, pl.ds(cc * L, L)]
            else:
                emb = ei_v[lr, pl.ds((cc - F // L) * L, L)]
            out_v[r, pl.ds(cc * L, L)] = emb + (yfm[cc] + csplat)
        return carry

    with jax.named_scope("ph_outpass"):
        lax.fori_loop(0, 4, out_row, 0)
        h0_cp = pltpu.async_copy(
            out_v.at[pl.ds(0, 4)], out_hbm.at[pl.ds(base + c * 8, 4)], sem_e)
        lax.fori_loop(4, 8, out_row, 0)
        h1_cp = pltpu.async_copy(
            out_v.at[pl.ds(4, 4)],
            out_hbm.at[pl.ds(base + c * 8 + 4, 4)], sem_e)
    with jax.named_scope("ph_write_wait"):
        h0_cp.wait()
        h1_cp.wait()


@functools.partial(jax.jit, static_argnames=())
def _fm_call(user, item, embed_user, embed_item, ub1, ib1, b1):
    mesh = plsc.VectorSubcoreMesh(core_axis_name="c", subcore_axis_name="s")
    run = pl.kernel(
        _fm_body,
        out_type=(jax.ShapeDtypeStruct((B, B), jnp.float32),
                  jax.ShapeDtypeStruct((2, L, L), jnp.float32)),
        mesh=mesh,
        compiler_params=pltpu.CompilerParams(needs_layout_passes=False),
        scratch_types=[
            pltpu.VMEM((L,), jnp.int32),
            pltpu.VMEM((L,), jnp.int32),
            pltpu.VMEM((L, F), jnp.float32),
            pltpu.VMEM((L, F), jnp.float32),
            pltpu.VMEM((L,), jnp.float32),
            pltpu.VMEM((L,), jnp.float32),
            pltpu.VMEM((1,), jnp.float32),
            pltpu.VMEM((L,), jnp.float32),
            pltpu.VMEM((L, L), jnp.float32),
            pltpu.VMEM((8, B), jnp.float32),
            pltpu.SemaphoreType.DMA,
            pltpu.SemaphoreType.DMA,
            pltpu.SemaphoreType.DMA,
            pltpu.SemaphoreType.DMA,
        ],
    )
    out, _ = run(user, item, embed_user, embed_item, ub1, ib1, b1)
    return out


def kernel(user, item, embed_user, embed_item, u_bias, i_bias, bias_):
    user = user.astype(jnp.int32)
    item = item.astype(jnp.int32)
    ub1 = u_bias.reshape(-1)
    ib1 = i_bias.reshape(-1)
    out = _fm_call(user, item, embed_user, embed_item, ub1, ib1, bias_)
    return out.reshape(-1)

# --- scband reference (transcript-rebuilt; emitter-appended) ---
"""Pipeline reference for scband-point-deep-fm-81750407512715 (READ-ONLY COPY).

The authoritative reference and input builder live on the scoring server;
editing this copy changes nothing except your own understanding.
"""

import jax, jax.numpy as jnp
import numpy as np

USER_NUM = 100000
ITEM_NUM = 1000000
FACTORS = 128
BATCH = 256


def setup_inputs(seed: int = 0) -> dict:
    key = jax.random.key(seed)
    k_u, k_i, k_eu, k_ei = jax.random.split(key, 4)
    user = jax.random.randint(k_u, (BATCH,), 0, USER_NUM, dtype=jnp.int64 if jax.config.jax_enable_x64 else jnp.int32)
    item = jax.random.randint(k_i, (BATCH,), 0, ITEM_NUM, dtype=jnp.int64 if jax.config.jax_enable_x64 else jnp.int32)
    embed_user = jax.random.normal(k_eu, (USER_NUM, FACTORS), dtype=jnp.float32) * 0.01
    embed_item = jax.random.normal(k_ei, (ITEM_NUM, FACTORS), dtype=jnp.float32) * 0.01
    u_bias = jnp.zeros((USER_NUM, 1), dtype=jnp.float32)
    i_bias = jnp.zeros((ITEM_NUM, 1), dtype=jnp.float32)
    bias_ = jnp.zeros((1,), dtype=jnp.float32)
    return {"user": user, "item": item, "embed_user": embed_user, "embed_item": embed_item, "u_bias": u_bias, "i_bias": i_bias, "bias_": bias_}


def reference(user, item, embed_user, embed_item, u_bias, i_bias, bias_):
    # embedding lookups (SparseCore gathers)
    eu = jnp.take(embed_user, user, axis=0)          # [B, F]
    ei = jnp.take(embed_item, item, axis=0)          # [B, F]
    fm = eu * ei                                      # [B, F]
    # fm_layers: batch_norm=False, dropout q=0.0 -> identity
    y_fm = jnp.sum(fm, axis=-1)                       # [B]
    # NOTE: faithful to the torch code: [B] + [B,1] broadcasts to [B,B]
    y_fm = y_fm + jnp.take(u_bias, user, axis=0) + jnp.take(i_bias, item, axis=0) + bias_  # [B, B]
    # num_layers == 0 -> deep_layers is identity
    y_deep = jnp.concatenate((eu, ei), axis=-1)       # [B, 2F] == [B, B] since B == 2F
    pred = y_fm + y_deep                              # [B, B]
    return pred.reshape(-1)

if __name__ == "__main__":
    import jax
    _d = setup_inputs()
    print(jax.jit(kernel)(*tuple(_d.values())))

</pallas_src>

<mosaic_0001>
#map = affine_map<(d0, d1) -> (0)>
#map1 = affine_map<(d0, d1) -> (0, 0)>
#map2 = affine_map<(d0, d1) -> (0, 0, 0)>
module attributes {stable_mosaic.version = 14 : i64} {
  func.func @_fm_body(%arg0: i32, %arg1: i32, %arg2: memref<256xi32, #tpu.memory_space<hbm>>, %arg3: memref<256xi32, #tpu.memory_space<hbm>>, %arg4: memref<100000x128xf32, #tpu.memory_space<hbm>>, %arg5: memref<1000000x128xf32, #tpu.memory_space<hbm>>, %arg6: memref<100000xf32, #tpu.memory_space<hbm>>, %arg7: memref<1000000xf32, #tpu.memory_space<hbm>>, %arg8: memref<1xf32, #tpu.memory_space<hbm>>, %arg9: memref<256x256xf32, #tpu.memory_space<hbm>>, %arg10: memref<2x16x16xf32, #tpu.memory_space<hbm>>, %arg11: memref<16xi32, #tpu.memory_space<vmem>>, %arg12: memref<16xi32, #tpu.memory_space<vmem>>, %arg13: memref<16x128xf32, #tpu.memory_space<vmem>>, %arg14: memref<16x128xf32, #tpu.memory_space<vmem>>, %arg15: memref<16xf32, #tpu.memory_space<vmem>>, %arg16: memref<16xf32, #tpu.memory_space<vmem>>, %arg17: memref<1xf32, #tpu.memory_space<vmem>>, %arg18: memref<16xf32, #tpu.memory_space<vmem>>, %arg19: memref<16x16xf32, #tpu.memory_space<vmem>>, %arg20: memref<8x256xf32, #tpu.memory_space<vmem>>, %arg21: memref<!tpu.dma_semaphore, #tpu.memory_space<semaphore_mem>>, %arg22: memref<!tpu.dma_semaphore, #tpu.memory_space<semaphore_mem>>, %arg23: memref<!tpu.dma_semaphore, #tpu.memory_space<semaphore_mem>>, %arg24: memref<!tpu.dma_semaphore, #tpu.memory_space<semaphore_mem>>) attributes {dimension_semantics = [#tpu.dimension_semantics<core_parallel>, #tpu.dimension_semantics<subcore_parallel>], iteration_bounds = array<i64: 2, 16>, scalar_prefetch = 0 : i64, scratch_operands = 14 : i64, tpu.core_type = #tpu.core_type<sc_vector_subcore>, window_params = [{transform_indices = #map}, {transform_indices = #map}, {transform_indices = #map1}, {transform_indices = #map1}, {transform_indices = #map}, {transform_indices = #map}, {transform_indices = #map}, {transform_indices = #map1}, {transform_indices = #map2}]} {
    %mul3A = arith.constant 16 : i32
    %mul3A_0 = arith.muli %arg1, %mul3A : i32
    "tpu.trace_start"() <{level = 10 : i32, message = "ph_idx"}> : () -> ()
    %dma_start3A = tpu.memref_slice %arg2[%mul3A_0] : memref<256xi32, #tpu.memory_space<hbm>> -> memref<16xi32, #tpu.memory_space<hbm>>
    %dma_start3A_1 = tpu.memref_slice %arg2[%mul3A_0] : memref<256xi32, #tpu.memory_space<hbm>> -> memref<16xi32, #tpu.memory_space<hbm>>
    tpu.enqueue_dma source(%dma_start3A_1 : memref<16xi32, #tpu.memory_space<hbm>>) target(%arg11 : memref<16xi32, #tpu.memory_space<vmem>>) target_semaphore(%arg21 : memref<!tpu.dma_semaphore, #tpu.memory_space<semaphore_mem>>)
    %dma_start3A_2 = tpu.memref_slice %arg3[%mul3A_0] : memref<256xi32, #tpu.memory_space<hbm>> -> memref<16xi32, #tpu.memory_space<hbm>>
    %dma_start3A_3 = tpu.memref_slice %arg3[%mul3A_0] : memref<256xi32, #tpu.memory_space<hbm>> -> memref<16xi32, #tpu.memory_space<hbm>>
    tpu.enqueue_dma source(%dma_start3A_3 : memref<16xi32, #tpu.memory_space<hbm>>) target(%arg12 : memref<16xi32, #tpu.memory_space<vmem>>) target_semaphore(%arg21 : memref<!tpu.dma_semaphore, #tpu.memory_space<semaphore_mem>>)
    %dma_wait3A = tpu.memref_slice %arg2[%mul3A_0] : memref<256xi32, #tpu.memory_space<hbm>> -> memref<16xi32, #tpu.memory_space<hbm>>
    %dma_wait3A_4 = tpu.memref_slice %arg2[%mul3A_0] : memref<256xi32, #tpu.memory_space<hbm>> -> memref<16xi32, #tpu.memory_space<hbm>>
    tpu.wait_dma2 semaphore(%arg21 : memref<!tpu.dma_semaphore, #tpu.memory_space<semaphore_mem>>) src(%dma_wait3A_4 : memref<16xi32, #tpu.memory_space<hbm>>) dst(%arg11 : memref<16xi32, #tpu.memory_space<vmem>>)
    %dma_wait3A_5 = tpu.memref_slice %arg3[%mul3A_0] : memref<256xi32, #tpu.memory_space<hbm>> -> memref<16xi32, #tpu.memory_space<hbm>>
    %dma_wait3A_6 = tpu.memref_slice %arg3[%mul3A_0] : memref<256xi32, #tpu.memory_space<hbm>> -> memref<16xi32, #tpu.memory_space<hbm>>
    tpu.wait_dma2 semaphore(%arg21 : memref<!tpu.dma_semaphore, #tpu.memory_space<semaphore_mem>>) src(%dma_wait3A_6 : memref<16xi32, #tpu.memory_space<hbm>>) dst(%arg12 : memref<16xi32, #tpu.memory_space<vmem>>)
    "tpu.trace_stop"() : () -> ()
    %dma_start3A_7 = arith.constant 0 : i32
    %dma_start3A_8 = arith.constant 0 : i32
    %dma_start3A_9 = tpu.memref_slice %arg4[%dma_start3A_7, %dma_start3A_8] : memref<100000x128xf32, #tpu.memory_space<hbm>> -> memref<100000x128xf32, #tpu.memory_space<hbm>>
    tpu.enqueue_indirect_dma source(%dma_start3A_9 : memref<100000x128xf32, #tpu.memory_space<hbm>>) target(%arg13 : memref<16x128xf32, #tpu.memory_space<vmem>>) offsets(%arg11 : memref<16xi32, #tpu.memory_space<vmem>>) semaphore(%arg22 : memref<!tpu.dma_semaphore, #tpu.memory_space<semaphore_mem>>)
    %dma_start3A_10 = arith.constant 0 : i32
    %dma_start3A_11 = arith.constant 0 : i32
    %dma_start3A_12 = tpu.memref_slice %arg5[%dma_start3A_10, %dma_start3A_11] : memref<1000000x128xf32, #tpu.memory_space<hbm>> -> memref<1000000x128xf32, #tpu.memory_space<hbm>>
    tpu.enqueue_indirect_dma source(%dma_start3A_12 : memref<1000000x128xf32, #tpu.memory_space<hbm>>) target(%arg14 : memref<16x128xf32, #tpu.memory_space<vmem>>) offsets(%arg12 : memref<16xi32, #tpu.memory_space<vmem>>) semaphore(%arg22 : memref<!tpu.dma_semaphore, #tpu.memory_space<semaphore_mem>>)
    %dma_start3A_13 = arith.constant 0 : i32
    %dma_start3A_14 = tpu.memref_slice %arg6[%dma_start3A_13] : memref<100000xf32, #tpu.memory_space<hbm>> -> memref<100000xf32, #tpu.memory_space<hbm>>
    tpu.enqueue_indirect_dma source(%dma_start3A_14 : memref<100000xf32, #tpu.memory_space<hbm>>) target(%arg15 : memref<16xf32, #tpu.memory_space<vmem>>) offsets(%arg11 : memref<16xi32, #tpu.memory_space<vmem>>) semaphore(%arg23 : memref<!tpu.dma_semaphore, #tpu.memory_space<semaphore_mem>>)
    %dma_start3A_15 = arith.constant 0 : i32
    %dma_start3A_16 = tpu.memref_slice %arg7[%dma_start3A_15] : memref<1000000xf32, #tpu.memory_space<hbm>> -> memref<1000000xf32, #tpu.memory_space<hbm>>
    tpu.enqueue_indirect_dma source(%dma_start3A_16 : memref<1000000xf32, #tpu.memory_space<hbm>>) target(%arg16 : memref<16xf32, #tpu.memory_space<vmem>>) offsets(%arg12 : memref<16xi32, #tpu.memory_space<vmem>>) semaphore(%arg23 : memref<!tpu.dma_semaphore, #tpu.memory_space<semaphore_mem>>)
    tpu.enqueue_dma source(%arg8 : memref<1xf32, #tpu.memory_space<hbm>>) target(%arg17 : memref<1xf32, #tpu.memory_space<vmem>>) target_semaphore(%arg23 : memref<!tpu.dma_semaphore, #tpu.memory_space<semaphore_mem>>)
    "tpu.trace_start"() <{level = 10 : i32, message = "ph_gather_wait"}> : () -> ()
    %dma_wait3A_17 = arith.constant 0 : i32
    %dma_wait3A_18 = arith.constant 0 : i32
    %dma_wait3A_19 = tpu.memref_slice %arg4[%dma_wait3A_17, %dma_wait3A_18] : memref<100000x128xf32, #tpu.memory_space<hbm>> -> memref<100000x128xf32, #tpu.memory_space<hbm>>
    tpu.wait_indirect_dma semaphore(%arg22 : memref<!tpu.dma_semaphore, #tpu.memory_space<semaphore_mem>>) src(%dma_wait3A_19 : memref<100000x128xf32, #tpu.memory_space<hbm>>) dst(%arg13 : memref<16x128xf32, #tpu.memory_space<vmem>>)
    %dma_wait3A_20 = arith.constant 0 : i32
    %dma_wait3A_21 = arith.constant 0 : i32
    %dma_wait3A_22 = tpu.memref_slice %arg5[%dma_wait3A_20, %dma_wait3A_21] : memref<1000000x128xf32, #tpu.memory_space<hbm>> -> memref<1000000x128xf32, #tpu.memory_space<hbm>>
    tpu.wait_indirect_dma semaphore(%arg22 : memref<!tpu.dma_semaphore, #tpu.memory_space<semaphore_mem>>) src(%dma_wait3A_22 : memref<1000000x128xf32, #tpu.memory_space<hbm>>) dst(%arg14 : memref<16x128xf32, #tpu.memory_space<vmem>>)
    "tpu.trace_stop"() : () -> ()
    %iota3A = tpu.iota {dimensions = array<i32: 0>} : vector<16xi32>
    %broadcast_in_dim3A = arith.constant 0.000000e+00 : f32
    "tpu.trace_start"() <{level = 10 : i32, message = "ph_yfm"}> : () -> ()
    %broadcast_in_dim3A_23 = vector.broadcast %broadcast_in_dim3A : f32 to vector<16xf32>
    %scan3A = arith.constant 0 : i32
    %scan3A_24 = arith.constant 32 : i32
    %scan3A_25 = arith.addi %scan3A, %scan3A_24 : i32
    %scan3A_26 = arith.constant 1 : i32
    %scan3A_27:4 = scf.for %scan3A_161 = %scan3A to %scan3A_25 step %scan3A_26 iter_args(%scan3A_162 = %broadcast_in_dim3A_23, %scan3A_163 = %broadcast_in_dim3A_23, %scan3A_164 = %broadcast_in_dim3A_23, %scan3A_165 = %broadcast_in_dim3A_23) -> (vector<16xf32>, vector<16xf32>, vector<16xf32>, vector<16xf32>)  : i32 {
      %mul3A_166 = arith.constant 4 : i32
      %mul3A_167 = arith.muli %mul3A_166, %scan3A_161 : i32
      %add3A_168 = arith.constant 0 : i32
      %add3A_169 = arith.addi %mul3A_167, %add3A_168 : i32
      %broadcast_in_dim3A_170 = vector.broadcast %add3A_169 : i32 to vector<16xi32>
      %add3A_171 = arith.constant 1 : i32
      %add3A_172 = arith.addi %mul3A_167, %add3A_171 : i32
      %broadcast_in_dim3A_173 = vector.broadcast %add3A_172 : i32 to vector<16xi32>
      %add3A_174 = arith.constant 2 : i32
      %add3A_175 = arith.addi %mul3A_167, %add3A_174 : i32
      %broadcast_in_dim3A_176 = vector.broadcast %add3A_175 : i32 to vector<16xi32>
      %add3A_177 = arith.constant 3 : i32
      %add3A_178 = arith.addi %mul3A_167, %add3A_177 : i32
      %broadcast_in_dim3A_179 = vector.broadcast %add3A_178 : i32 to vector<16xi32>
      %gather3A_180 = tpu.vector_load_idx %arg13[%iota3A, %broadcast_in_dim3A_170] : memref<16x128xf32, #tpu.memory_space<vmem>>[vector<16xi32>, vector<16xi32>], vector<16xf32>,
      %gather3A_181 = tpu.vector_load_idx %arg14[%iota3A, %broadcast_in_dim3A_170] : memref<16x128xf32, #tpu.memory_space<vmem>>[vector<16xi32>, vector<16xi32>], vector<16xf32>,
      %mul3A_182 = arith.mulf %gather3A_180, %gather3A_181 : vector<16xf32>
      %gather3A_183 = tpu.vector_load_idx %arg13[%iota3A, %broadcast_in_dim3A_173] : memref<16x128xf32, #tpu.memory_space<vmem>>[vector<16xi32>, vector<16xi32>], vector<16xf32>,
      %gather3A_184 = tpu.vector_load_idx %arg14[%iota3A, %broadcast_in_dim3A_173] : memref<16x128xf32, #tpu.memory_space<vmem>>[vector<16xi32>, vector<16xi32>], vector<16xf32>,
      %mul3A_185 = arith.mulf %gather3A_183, %gather3A_184 : vector<16xf32>
      %gather3A_186 = tpu.vector_load_idx %arg13[%iota3A, %broadcast_in_dim3A_176] : memref<16x128xf32, #tpu.memory_space<vmem>>[vector<16xi32>, vector<16xi32>], vector<16xf32>,
      %gather3A_187 = tpu.vector_load_idx %arg14[%iota3A, %broadcast_in_dim3A_176] : memref<16x128xf32, #tpu.memory_space<vmem>>[vector<16xi32>, vector<16xi32>], vector<16xf32>,
      %mul3A_188 = arith.mulf %gather3A_186, %gather3A_187 : vector<16xf32>
      %gather3A_189 = tpu.vector_load_idx %arg13[%iota3A, %broadcast_in_dim3A_179] : memref<16x128xf32, #tpu.memory_space<vmem>>[vector<16xi32>, vector<16xi32>], vector<16xf32>,
      %gather3A_190 = tpu.vector_load_idx %arg14[%iota3A, %broadcast_in_dim3A_179] : memref<16x128xf32, #tpu.memory_space<vmem>>[vector<16xi32>, vector<16xi32>], vector<16xf32>,
      %mul3A_191 = arith.mulf %gather3A_189, %gather3A_190 : vector<16xf32>
      %add3A_192 = arith.addf %scan3A_162, %mul3A_182 : vector<16xf32>
      %add3A_193 = arith.addf %scan3A_163, %mul3A_185 : vector<16xf32>
      %add3A_194 = arith.addf %scan3A_164, %mul3A_188 : vector<16xf32>
      %add3A_195 = arith.addf %scan3A_165, %mul3A_191 : vector<16xf32>
      scf.yield %add3A_192, %add3A_193, %add3A_194, %add3A_195 : vector<16xf32>, vector<16xf32>, vector<16xf32>, vector<16xf32>
    }
    %scan3A_28 = arith.constant 32 : i32
    %add3A = arith.addf %scan3A_27#0, %scan3A_27#1 : vector<16xf32>
    %add3A_29 = arith.addf %scan3A_27#2, %scan3A_27#3 : vector<16xf32>
    %add3A_30 = arith.addf %add3A, %add3A_29 : vector<16xf32>
    %swap3A = arith.constant 0 : index
    %swap3A_31 = tpu.vector_load %arg18[%swap3A] {strides = array<i32>} : memref<16xf32, #tpu.memory_space<vmem>>, vector<16xf32>,
    tpu.vector_store %arg18[%swap3A], %add3A_30 {strides = array<i32>} : memref<16xf32, #tpu.memory_space<vmem>>, vector<16xf32>,
    "tpu.trace_stop"() : () -> ()
    "tpu.trace_start"() <{level = 10 : i32, message = "ph_publish"}> : () -> ()
    %dma_wait3A_32 = arith.constant 0 : i32
    %dma_wait3A_33 = tpu.memref_slice %arg6[%dma_wait3A_32] : memref<100000xf32, #tpu.memory_space<hbm>> -> memref<100000xf32, #tpu.memory_space<hbm>>
    tpu.wait_indirect_dma semaphore(%arg23 : memref<!tpu.dma_semaphore, #tpu.memory_space<semaphore_mem>>) src(%dma_wait3A_33 : memref<100000xf32, #tpu.memory_space<hbm>>) dst(%arg15 : memref<16xf32, #tpu.memory_space<vmem>>)
    %dma_wait3A_34 = arith.constant 0 : i32
    %dma_wait3A_35 = tpu.memref_slice %arg7[%dma_wait3A_34] : memref<1000000xf32, #tpu.memory_space<hbm>> -> memref<1000000xf32, #tpu.memory_space<hbm>>
    tpu.wait_indirect_dma semaphore(%arg23 : memref<!tpu.dma_semaphore, #tpu.memory_space<semaphore_mem>>) src(%dma_wait3A_35 : memref<1000000xf32, #tpu.memory_space<hbm>>) dst(%arg16 : memref<16xf32, #tpu.memory_space<vmem>>)
    tpu.wait_dma2 semaphore(%arg23 : memref<!tpu.dma_semaphore, #tpu.memory_space<semaphore_mem>>) src(%arg8 : memref<1xf32, #tpu.memory_space<hbm>>) dst(%arg17 : memref<1xf32, #tpu.memory_space<vmem>>)
    %get3A = arith.constant 0 : i32
    "tpu.trace_stop"() : () -> ()
    %get3A_36 = arith.index_cast %get3A : i32 to index
    %get3A_37 = arith.constant 0 : index
    %get3A_38 = tpu.vector_load %arg19[%get3A_36, %get3A_37] {strides = array<i32>} : memref<16x16xf32, #tpu.memory_space<vmem>>, vector<16xf32>,
    %get3A_39 = arith.constant 1 : i32
    %get3A_40 = arith.index_cast %get3A_39 : i32 to index
    %get3A_41 = arith.constant 0 : index
    %get3A_42 = tpu.vector_load %arg19[%get3A_40, %get3A_41] {strides = array<i32>} : memref<16x16xf32, #tpu.memory_space<vmem>>, vector<16xf32>,
    %get3A_43 = arith.constant 2 : i32
    %get3A_44 = arith.index_cast %get3A_43 : i32 to index
    %get3A_45 = arith.constant 0 : index
    %get3A_46 = tpu.vector_load %arg19[%get3A_44, %get3A_45] {strides = array<i32>} : memref<16x16xf32, #tpu.memory_space<vmem>>, vector<16xf32>,
    %get3A_47 = arith.constant 3 : i32
    %get3A_48 = arith.index_cast %get3A_47 : i32 to index
    %get3A_49 = arith.constant 0 : index
    %get3A_50 = tpu.vector_load %arg19[%get3A_48, %get3A_49] {strides = array<i32>} : memref<16x16xf32, #tpu.memory_space<vmem>>, vector<16xf32>,
    %get3A_51 = arith.constant 4 : i32
    %get3A_52 = arith.index_cast %get3A_51 : i32 to index
    %get3A_53 = arith.constant 0 : index
    %get3A_54 = tpu.vector_load %arg19[%get3A_52, %get3A_53] {strides = array<i32>} : memref<16x16xf32, #tpu.memory_space<vmem>>, vector<16xf32>,
    %get3A_55 = arith.constant 5 : i32
    %get3A_56 = arith.index_cast %get3A_55 : i32 to index
    %get3A_57 = arith.constant 0 : index
    %get3A_58 = tpu.vector_load %arg19[%get3A_56, %get3A_57] {strides = array<i32>} : memref<16x16xf32, #tpu.memory_space<vmem>>, vector<16xf32>,
    %get3A_59 = arith.constant 6 : i32
    %get3A_60 = arith.index_cast %get3A_59 : i32 to index
    %get3A_61 = arith.constant 0 : index
    %get3A_62 = tpu.vector_load %arg19[%get3A_60, %get3A_61] {strides = array<i32>} : memref<16x16xf32, #tpu.memory_space<vmem>>, vector<16xf32>,
    %get3A_63 = arith.constant 7 : i32
    %get3A_64 = arith.index_cast %get3A_63 : i32 to index
    %get3A_65 = arith.constant 0 : index
    %get3A_66 = tpu.vector_load %arg19[%get3A_64, %get3A_65] {strides = array<i32>} : memref<16x16xf32, #tpu.memory_space<vmem>>, vector<16xf32>,
    %get3A_67 = arith.constant 8 : i32
    %get3A_68 = arith.index_cast %get3A_67 : i32 to index
    %get3A_69 = arith.constant 0 : index
    %get3A_70 = tpu.vector_load %arg19[%get3A_68, %get3A_69] {strides = array<i32>} : memref<16x16xf32, #tpu.memory_space<vmem>>, vector<16xf32>,
    %get3A_71 = arith.constant 9 : i32
    %get3A_72 = arith.index_cast %get3A_71 : i32 to index
    %get3A_73 = arith.constant 0 : index
    %get3A_74 = tpu.vector_load %arg19[%get3A_72, %get3A_73] {strides = array<i32>} : memref<16x16xf32, #tpu.memory_space<vmem>>, vector<16xf32>,
    %get3A_75 = arith.constant 10 : i32
    %get3A_76 = arith.index_cast %get3A_75 : i32 to index
    %get3A_77 = arith.constant 0 : index
    %get3A_78 = tpu.vector_load %arg19[%get3A_76, %get3A_77] {strides = array<i32>} : memref<16x16xf32, #tpu.memory_space<vmem>>, vector<16xf32>,
    %get3A_79 = arith.constant 11 : i32
    %get3A_80 = arith.index_cast %get3A_79 : i32 to index
    %get3A_81 = arith.constant 0 : index
    %get3A_82 = tpu.vector_load %arg19[%get3A_80, %get3A_81] {strides = array<i32>} : memref<16x16xf32, #tpu.memory_space<vmem>>, vector<16xf32>,
    %get3A_83 = arith.constant 12 : i32
    %get3A_84 = arith.index_cast %get3A_83 : i32 to index
    %get3A_85 = arith.constant 0 : index
    %get3A_86 = tpu.vector_load %arg19[%get3A_84, %get3A_85] {strides = array<i32>} : memref<16x16xf32, #tpu.memory_space<vmem>>, vector<16xf32>,
    %get3A_87 = arith.constant 13 : i32
    %get3A_88 = arith.index_cast %get3A_87 : i32 to index
    %get3A_89 = arith.constant 0 : index
    %get3A_90 = tpu.vector_load %arg19[%get3A_88, %get3A_89] {strides = array<i32>} : memref<16x16xf32, #tpu.memory_space<vmem>>, vector<16xf32>,
    %get3A_91 = arith.constant 14 : i32
    %get3A_92 = arith.index_cast %get3A_91 : i32 to index
    %get3A_93 = arith.constant 0 : index
    %get3A_94 = tpu.vector_load %arg19[%get3A_92, %get3A_93] {strides = array<i32>} : memref<16x16xf32, #tpu.memory_space<vmem>>, vector<16xf32>,
    %get3A_95 = arith.constant 15 : i32
    %get3A_96 = arith.index_cast %get3A_95 : i32 to index
    %get3A_97 = arith.constant 0 : index
    %get3A_98 = tpu.vector_load %arg19[%get3A_96, %get3A_97] {strides = array<i32>} : memref<16x16xf32, #tpu.memory_space<vmem>>, vector<16xf32>,
    %broadcast_in_dim3A_99 = arith.constant 0 : i32
    %broadcast_in_dim3A_100 = vector.broadcast %broadcast_in_dim3A_99 : i32 to vector<16xi32>
    %gather3A = tpu.vector_load_idx %arg17[%broadcast_in_dim3A_100] : memref<1xf32, #tpu.memory_space<vmem>>[vector<16xi32>], vector<16xf32>,
    "tpu.trace_start"() <{level = 10 : i32, message = "ph_outpass"}> : () -> ()
    %scan3A_101 = arith.constant 0 : i32
    %scan3A_102 = arith.constant 0 : i32
    %scan3A_103 = arith.constant 4 : i32
    %scan3A_104 = arith.addi %scan3A_102, %scan3A_103 : i32
    %scan3A_105 = arith.constant 1 : i32
    scf.for %scan3A_161 = %scan3A_102 to %scan3A_104 step %scan3A_105  : i32 {
      %mul3A_162 = arith.constant 8 : i32
      %mul3A_163 = arith.muli %arg0, %mul3A_162 : i32
      %add3A_164 = arith.addi %mul3A_163, %scan3A_161 : i32
      %broadcast_in_dim3A_165 = vector.broadcast %add3A_164 : i32 to vector<16xi32>
      %gather3A_166 = tpu.vector_load_idx %arg15[%broadcast_in_dim3A_165] : memref<16xf32, #tpu.memory_space<vmem>>[vector<16xi32>], vector<16xf32>,
      %gather3A_167 = tpu.vector_load_idx %arg16[%broadcast_in_dim3A_165] : memref<16xf32, #tpu.memory_space<vmem>>[vector<16xi32>], vector<16xf32>,
      %add3A_168 = arith.addf %gather3A_166, %gather3A_167 : vector<16xf32>
      %add3A_169 = arith.addf %add3A_168, %gather3A : vector<16xf32>
      %get3A_170 = arith.index_cast %add3A_164 : i32 to index
      %get3A_171 = arith.constant 0 : index
      %get3A_172 = tpu.vector_load %arg13[%get3A_170, %get3A_171] {strides = array<i32>} : memref<16x128xf32, #tpu.memory_space<vmem>>, vector<16xf32>,
      %add3A_173 = arith.addf %get3A_38, %add3A_169 : vector<16xf32>
      %add3A_174 = arith.addf %get3A_172, %add3A_173 : vector<16xf32>
      %swap3A_175 = arith.index_cast %scan3A_161 : i32 to index
      %swap3A_176 = arith.constant 0 : index
      %swap3A_177 = tpu.vector_load %arg20[%swap3A_175, %swap3A_176] {strides = array<i32>} : memref<8x256xf32, #tpu.memory_space<vmem>>, vector<16xf32>,
      tpu.vector_store %arg20[%swap3A_175, %swap3A_176], %add3A_174 {strides = array<i32>} : memref<8x256xf32, #tpu.memory_space<vmem>>, vector<16xf32>,
      %get3A_178 = arith.index_cast %add3A_164 : i32 to index
      %get3A_179 = arith.constant 16 : index
      %get3A_180 = tpu.vector_load %arg13[%get3A_178, %get3A_179] {strides = array<i32>} : memref<16x128xf32, #tpu.memory_space<vmem>>, vector<16xf32>,
      %add3A_181 = arith.addf %get3A_42, %add3A_169 : vector<16xf32>
      %add3A_182 = arith.addf %get3A_180, %add3A_181 : vector<16xf32>
      %swap3A_183 = arith.index_cast %scan3A_161 : i32 to index
      %swap3A_184 = arith.constant 16 : index
      %swap3A_185 = tpu.vector_load %arg20[%swap3A_183, %swap3A_184] {strides = array<i32>} : memref<8x256xf32, #tpu.memory_space<vmem>>, vector<16xf32>,
      tpu.vector_store %arg20[%swap3A_183, %swap3A_184], %add3A_182 {strides = array<i32>} : memref<8x256xf32, #tpu.memory_space<vmem>>, vector<16xf32>,
      %get3A_186 = arith.index_cast %add3A_164 : i32 to index
      %get3A_187 = arith.constant 32 : index
      %get3A_188 = tpu.vector_load %arg13[%get3A_186, %get3A_187] {strides = array<i32>} : memref<16x128xf32, #tpu.memory_space<vmem>>, vector<16xf32>,
      %add3A_189 = arith.addf %get3A_46, %add3A_169 : vector<16xf32>
      %add3A_190 = arith.addf %get3A_188, %add3A_189 : vector<16xf32>
      %swap3A_191 = arith.index_cast %scan3A_161 : i32 to index
      %swap3A_192 = arith.constant 32 : index
      %swap3A_193 = tpu.vector_load %arg20[%swap3A_191, %swap3A_192] {strides = array<i32>} : memref<8x256xf32, #tpu.memory_space<vmem>>, vector<16xf32>,
      tpu.vector_store %arg20[%swap3A_191, %swap3A_192], %add3A_190 {strides = array<i32>} : memref<8x256xf32, #tpu.memory_space<vmem>>, vector<16xf32>,
      %get3A_194 = arith.index_cast %add3A_164 : i32 to index
      %get3A_195 = arith.constant 48 : index
      %get3A_196 = tpu.vector_load %arg13[%get3A_194, %get3A_195] {strides = array<i32>} : memref<16x128xf32, #tpu.memory_space<vmem>>, vector<16xf32>,
      %add3A_197 = arith.addf %get3A_50, %add3A_169 : vector<16xf32>
      %add3A_198 = arith.addf %get3A_196, %add3A_197 : vector<16xf32>
      %swap3A_199 = arith.index_cast %scan3A_161 : i32 to index
      %swap3A_200 = arith.constant 48 : index
      %swap3A_201 = tpu.vector_load %arg20[%swap3A_199, %swap3A_200] {strides = array<i32>} : memref<8x256xf32, #tpu.memory_space<vmem>>, vector<16xf32>,
      tpu.vector_store %arg20[%swap3A_199, %swap3A_200], %add3A_198 {strides = array<i32>} : memref<8x256xf32, #tpu.memory_space<vmem>>, vector<16xf32>,
      %get3A_202 = arith.index_cast %add3A_164 : i32 to index
      %get3A_203 = arith.constant 64 : index
      %get3A_204 = tpu.vector_load %arg13[%get3A_202, %get3A_203] {strides = array<i32>} : memref<16x128xf32, #tpu.memory_space<vmem>>, vector<16xf32>,
      %add3A_205 = arith.addf %get3A_54, %add3A_169 : vector<16xf32>
      %add3A_206 = arith.addf %get3A_204, %add3A_205 : vector<16xf32>
      %swap3A_207 = arith.index_cast %scan3A_161 : i32 to index
      %swap3A_208 = arith.constant 64 : index
      %swap3A_209 = tpu.vector_load %arg20[%swap3A_207, %swap3A_208] {strides = array<i32>} : memref<8x256xf32, #tpu.memory_space<vmem>>, vector<16xf32>,
      tpu.vector_store %arg20[%swap3A_207, %swap3A_208], %add3A_206 {strides = array<i32>} : memref<8x256xf32, #tpu.memory_space<vmem>>, vector<16xf32>,
      %get3A_210 = arith.index_cast %add3A_164 : i32 to index
      %get3A_211 = arith.constant 80 : index
      %get3A_212 = tpu.vector_load %arg13[%get3A_210, %get3A_211] {strides = array<i32>} : memref<16x128xf32, #tpu.memory_space<vmem>>, vector<16xf32>,
      %add3A_213 = arith.addf %get3A_58, %add3A_169 : vector<16xf32>
      %add3A_214 = arith.addf %get3A_212, %add3A_213 : vector<16xf32>
      %swap3A_215 = arith.index_cast %scan3A_161 : i32 to index
      %swap3A_216 = arith.constant 80 : index
      %swap3A_217 = tpu.vector_load %arg20[%swap3A_215, %swap3A_216] {strides = array<i32>} : memref<8x256xf32, #tpu.memory_space<vmem>>, vector<16xf32>,
      tpu.vector_store %arg20[%swap3A_215, %swap3A_216], %add3A_214 {strides = array<i32>} : memref<8x256xf32, #tpu.memory_space<vmem>>, vector<16xf32>,
      %get3A_218 = arith.index_cast %add3A_164 : i32 to index
      %get3A_219 = arith.constant 96 : index
      %get3A_220 = tpu.vector_load %arg13[%get3A_218, %get3A_219] {strides = array<i32>} : memref<16x128xf32, #tpu.memory_space<vmem>>, vector<16xf32>,
      %add3A_221 = arith.addf %get3A_62, %add3A_169 : vector<16xf32>
      %add3A_222 = arith.addf %get3A_220, %add3A_221 : vector<16xf32>
      %swap3A_223 = arith.index_cast %scan3A_161 : i32 to index
      %swap3A_224 = arith.constant 96 : index
      %swap3A_225 = tpu.vector_load %arg20[%swap3A_223, %swap3A_224] {strides = array<i32>} : memref<8x256xf32, #tpu.memory_space<vmem>>, vector<16xf32>,
      tpu.vector_store %arg20[%swap3A_223, %swap3A_224], %add3A_222 {strides = array<i32>} : memref<8x256xf32, #tpu.memory_space<vmem>>, vector<16xf32>,
      %get3A_226 = arith.index_cast %add3A_164 : i32 to index
      %get3A_227 = arith.constant 112 : index
      %get3A_228 = tpu.vector_load %arg13[%get3A_226, %get3A_227] {strides = array<i32>} : memref<16x128xf32, #tpu.memory_space<vmem>>, vector<16xf32>,
      %add3A_229 = arith.addf %get3A_66, %add3A_169 : vector<16xf32>
      %add3A_230 = arith.addf %get3A_228, %add3A_229 : vector<16xf32>
      %swap3A_231 = arith.index_cast %scan3A_161 : i32 to index
      %swap3A_232 = arith.constant 112 : index
      %swap3A_233 = tpu.vector_load %arg20[%swap3A_231, %swap3A_232] {strides = array<i32>} : memref<8x256xf32, #tpu.memory_space<vmem>>, vector<16xf32>,
      tpu.vector_store %arg20[%swap3A_231, %swap3A_232], %add3A_230 {strides = array<i32>} : memref<8x256xf32, #tpu.memory_space<vmem>>, vector<16xf32>,
      %get3A_234 = arith.index_cast %add3A_164 : i32 to index
      %get3A_235 = arith.constant 0 : index
      %get3A_236 = tpu.vector_load %arg14[%get3A_234, %get3A_235] {strides = array<i32>} : memref<16x128xf32, #tpu.memory_space<vmem>>, vector<16xf32>,
      %add3A_237 = arith.addf %get3A_70, %add3A_169 : vector<16xf32>
      %add3A_238 = arith.addf %get3A_236, %add3A_237 : vector<16xf32>
      %swap3A_239 = arith.index_cast %scan3A_161 : i32 to index
      %swap3A_240 = arith.constant 128 : index
      %swap3A_241 = tpu.vector_load %arg20[%swap3A_239, %swap3A_240] {strides = array<i32>} : memref<8x256xf32, #tpu.memory_space<vmem>>, vector<16xf32>,
      tpu.vector_store %arg20[%swap3A_239, %swap3A_240], %add3A_238 {strides = array<i32>} : memref<8x256xf32, #tpu.memory_space<vmem>>, vector<16xf32>,
      %get3A_242 = arith.index_cast %add3A_164 : i32 to index
      %get3A_243 = arith.constant 16 : index
      %get3A_244 = tpu.vector_load %arg14[%get3A_242, %get3A_243] {strides = array<i32>} : memref<16x128xf32, #tpu.memory_space<vmem>>, vector<16xf32>,
      %add3A_245 = arith.addf %get3A_74, %add3A_169 : vector<16xf32>
      %add3A_246 = arith.addf %get3A_244, %add3A_245 : vector<16xf32>
      %swap3A_247 = arith.index_cast %scan3A_161 : i32 to index
      %swap3A_248 = arith.constant 144 : index
      %swap3A_249 = tpu.vector_load %arg20[%swap3A_247, %swap3A_248] {strides = array<i32>} : memref<8x256xf32, #tpu.memory_space<vmem>>, vector<16xf32>,
      tpu.vector_store %arg20[%swap3A_247, %swap3A_248], %add3A_246 {strides = array<i32>} : memref<8x256xf32, #tpu.memory_space<vmem>>, vector<16xf32>,
      %get3A_250 = arith.index_cast %add3A_164 : i32 to index
      %get3A_251 = arith.constant 32 : index
      %get3A_252 = tpu.vector_load %arg14[%get3A_250, %get3A_251] {strides = array<i32>} : memref<16x128xf32, #tpu.memory_space<vmem>>, vector<16xf32>,
      %add3A_253 = arith.addf %get3A_78, %add3A_169 : vector<16xf32>
      %add3A_254 = arith.addf %get3A_252, %add3A_253 : vector<16xf32>
      %swap3A_255 = arith.index_cast %scan3A_161 : i32 to index
      %swap3A_256 = arith.constant 160 : index
      %swap3A_257 = tpu.vector_load %arg20[%swap3A_255, %swap3A_256] {strides = array<i32>} : memref<8x256xf32, #tpu.memory_space<vmem>>, vector<16xf32>,
      tpu.vector_store %arg20[%swap3A_255, %swap3A_256], %add3A_254 {strides = array<i32>} : memref<8x256xf32, #tpu.memory_space<vmem>>, vector<16xf32>,
      %get3A_258 = arith.index_cast %add3A_164 : i32 to index
      %get3A_259 = arith.constant 48 : index
      %get3A_260 = tpu.vector_load %arg14[%get3A_258, %get3A_259] {strides = array<i32>} : memref<16x128xf32, #tpu.memory_space<vmem>>, vector<16xf32>,
      %add3A_261 = arith.addf %get3A_82, %add3A_169 : vector<16xf32>
      %add3A_262 = arith.addf %get3A_260, %add3A_261 : vector<16xf32>
      %swap3A_263 = arith.index_cast %scan3A_161 : i32 to index
      %swap3A_264 = arith.constant 176 : index
      %swap3A_265 = tpu.vector_load %arg20[%swap3A_263, %swap3A_264] {strides = array<i32>} : memref<8x256xf32, #tpu.memory_space<vmem>>, vector<16xf32>,
      tpu.vector_store %arg20[%swap3A_263, %swap3A_264], %add3A_262 {strides = array<i32>} : memref<8x256xf32, #tpu.memory_space<vmem>>, vector<16xf32>,
      %get3A_266 = arith.index_cast %add3A_164 : i32 to index
      %get3A_267 = arith.constant 64 : index
      %get3A_268 = tpu.vector_load %arg14[%get3A_266, %get3A_267] {strides = array<i32>} : memref<16x128xf32, #tpu.memory_space<vmem>>, vector<16xf32>,
      %add3A_269 = arith.addf %get3A_86, %add3A_169 : vector<16xf32>
      %add3A_270 = arith.addf %get3A_268, %add3A_269 : vector<16xf32>
      %swap3A_271 = arith.index_cast %scan3A_161 : i32 to index
      %swap3A_272 = arith.constant 192 : index
      %swap3A_273 = tpu.vector_load %arg20[%swap3A_271, %swap3A_272] {strides = array<i32>} : memref<8x256xf32, #tpu.memory_space<vmem>>, vector<16xf32>,
      tpu.vector_store %arg20[%swap3A_271, %swap3A_272], %add3A_270 {strides = array<i32>} : memref<8x256xf32, #tpu.memory_space<vmem>>, vector<16xf32>,
      %get3A_274 = arith.index_cast %add3A_164 : i32 to index
      %get3A_275 = arith.constant 80 : index
      %get3A_276 = tpu.vector_load %arg14[%get3A_274, %get3A_275] {strides = array<i32>} : memref<16x128xf32, #tpu.memory_space<vmem>>, vector<16xf32>,
      %add3A_277 = arith.addf %get3A_90, %add3A_169 : vector<16xf32>
      %add3A_278 = arith.addf %get3A_276, %add3A_277 : vector<16xf32>
      %swap3A_279 = arith.index_cast %scan3A_161 : i32 to index
      %swap3A_280 = arith.constant 208 : index
      %swap3A_281 = tpu.vector_load %arg20[%swap3A_279, %swap3A_280] {strides = array<i32>} : memref<8x256xf32, #tpu.memory_space<vmem>>, vector<16xf32>,
      tpu.vector_store %arg20[%swap3A_279, %swap3A_280], %add3A_278 {strides = array<i32>} : memref<8x256xf32, #tpu.memory_space<vmem>>, vector<16xf32>,
      %get3A_282 = arith.index_cast %add3A_164 : i32 to index
      %get3A_283 = arith.constant 96 : index
      %get3A_284 = tpu.vector_load %arg14[%get3A_282, %get3A_283] {strides = array<i32>} : memref<16x128xf32, #tpu.memory_space<vmem>>, vector<16xf32>,
      %add3A_285 = arith.addf %get3A_94, %add3A_169 : vector<16xf32>
      %add3A_286 = arith.addf %get3A_284, %add3A_285 : vector<16xf32>
      %swap3A_287 = arith.index_cast %scan3A_161 : i32 to index
      %swap3A_288 = arith.constant 224 : index
      %swap3A_289 = tpu.vector_load %arg20[%swap3A_287, %swap3A_288] {strides = array<i32>} : memref<8x256xf32, #tpu.memory_space<vmem>>, vector<16xf32>,
      tpu.vector_store %arg20[%swap3A_287, %swap3A_288], %add3A_286 {strides = array<i32>} : memref<8x256xf32, #tpu.memory_space<vmem>>, vector<16xf32>,
      %get3A_290 = arith.index_cast %add3A_164 : i32 to index
      %get3A_291 = arith.constant 112 : index
      %get3A_292 = tpu.vector_load %arg14[%get3A_290, %get3A_291] {strides = array<i32>} : memref<16x128xf32, #tpu.memory_space<vmem>>, vector<16xf32>,
      %add3A_293 = arith.addf %get3A_98, %add3A_169 : vector<16xf32>
      %add3A_294 = arith.addf %get3A_292, %add3A_293 : vector<16xf32>
      %swap3A_295 = arith.index_cast %scan3A_161 : i32 to index
      %swap3A_296 = arith.constant 240 : index
      %swap3A_297 = tpu.vector_load %arg20[%swap3A_295, %swap3A_296] {strides = array<i32>} : memref<8x256xf32, #tpu.memory_space<vmem>>, vector<16xf32>,
      tpu.vector_store %arg20[%swap3A_295, %swap3A_296], %add3A_294 {strides = array<i32>} : memref<8x256xf32, #tpu.memory_space<vmem>>, vector<16xf32>,
    }
    %scan3A_106 = arith.constant 4 : i32
    %mul3A_107 = arith.constant 8 : i32
    %mul3A_108 = arith.muli %arg0, %mul3A_107 : i32
    %add3A_109 = arith.addi %mul3A_0, %mul3A_108 : i32
    %dma_start3A_110 = arith.constant 0 : i32
    %dma_start3A_111 = arith.constant 0 : i32
    %dma_start3A_112 = tpu.memref_slice %arg20[%dma_start3A_110, %dma_start3A_111] : memref<8x256xf32, #tpu.memory_space<vmem>> -> memref<4x256xf32, #tpu.memory_space<vmem>>
    %dma_start3A_113 = arith.constant 0 : i32
    %dma_start3A_114 = tpu.memref_slice %arg9[%add3A_109, %dma_start3A_113] : memref<256x256xf32, #tpu.memory_space<hbm>> -> memref<4x256xf32, #tpu.memory_space<hbm>>
    %dma_start3A_115 = arith.constant 0 : i32
    %dma_start3A_116 = tpu.memref_slice %arg9[%add3A_109, %dma_start3A_115] : memref<256x256xf32, #tpu.memory_space<hbm>> -> memref<4x256xf32, #tpu.memory_space<hbm>>
    %dma_start3A_117 = arith.constant 0 : i32
    %dma_start3A_118 = arith.constant 0 : i32
    %dma_start3A_119 = tpu.memref_slice %arg20[%dma_start3A_117, %dma_start3A_118] : memref<8x256xf32, #tpu.memory_space<vmem>> -> memref<4x256xf32, #tpu.memory_space<vmem>>
    tpu.enqueue_dma source(%dma_start3A_119 : memref<4x256xf32, #tpu.memory_space<vmem>>) target(%dma_start3A_116 : memref<4x256xf32, #tpu.memory_space<hbm>>) target_semaphore(%arg22 : memref<!tpu.dma_semaphore, #tpu.memory_space<semaphore_mem>>)
    %scan3A_120 = arith.constant 0 : i32
    %scan3A_121 = arith.constant 4 : i32
    %scan3A_122 = arith.constant 4 : i32
    %scan3A_123 = arith.addi %scan3A_121, %scan3A_122 : i32
    %scan3A_124 = arith.constant 1 : i32
    scf.for %scan3A_161 = %scan3A_121 to %scan3A_123 step %scan3A_124  : i32 {
      %mul3A_162 = arith.constant 8 : i32
      %mul3A_163 = arith.muli %arg0, %mul3A_162 : i32
      %add3A_164 = arith.addi %mul3A_163, %scan3A_161 : i32
      %broadcast_in_dim3A_165 = vector.broadcast %add3A_164 : i32 to vector<16xi32>
      %gather3A_166 = tpu.vector_load_idx %arg15[%broadcast_in_dim3A_165] : memref<16xf32, #tpu.memory_space<vmem>>[vector<16xi32>], vector<16xf32>,
      %gather3A_167 = tpu.vector_load_idx %arg16[%broadcast_in_dim3A_165] : memref<16xf32, #tpu.memory_space<vmem>>[vector<16xi32>], vector<16xf32>,
      %add3A_168 = arith.addf %gather3A_166, %gather3A_167 : vector<16xf32>
      %add3A_169 = arith.addf %add3A_168, %gather3A : vector<16xf32>
      %get3A_170 = arith.index_cast %add3A_164 : i32 to index
      %get3A_171 = arith.constant 0 : index
      %get3A_172 = tpu.vector_load %arg13[%get3A_170, %get3A_171] {strides = array<i32>} : memref<16x128xf32, #tpu.memory_space<vmem>>, vector<16xf32>,
      %add3A_173 = arith.addf %get3A_38, %add3A_169 : vector<16xf32>
      %add3A_174 = arith.addf %get3A_172, %add3A_173 : vector<16xf32>
      %swap3A_175 = arith.index_cast %scan3A_161 : i32 to index
      %swap3A_176 = arith.constant 0 : index
      %swap3A_177 = tpu.vector_load %arg20[%swap3A_175, %swap3A_176] {strides = array<i32>} : memref<8x256xf32, #tpu.memory_space<vmem>>, vector<16xf32>,
      tpu.vector_store %arg20[%swap3A_175, %swap3A_176], %add3A_174 {strides = array<i32>} : memref<8x256xf32, #tpu.memory_space<vmem>>, vector<16xf32>,
      %get3A_178 = arith.index_cast %add3A_164 : i32 to index
      %get3A_179 = arith.constant 16 : index
      %get3A_180 = tpu.vector_load %arg13[%get3A_178, %get3A_179] {strides = array<i32>} : memref<16x128xf32, #tpu.memory_space<vmem>>, vector<16xf32>,
      %add3A_181 = arith.addf %get3A_42, %add3A_169 : vector<16xf32>
      %add3A_182 = arith.addf %get3A_180, %add3A_181 : vector<16xf32>
      %swap3A_183 = arith.index_cast %scan3A_161 : i32 to index
      %swap3A_184 = arith.constant 16 : index
      %swap3A_185 = tpu.vector_load %arg20[%swap3A_183, %swap3A_184] {strides = array<i32>} : memref<8x256xf32, #tpu.memory_space<vmem>>, vector<16xf32>,
      tpu.vector_store %arg20[%swap3A_183, %swap3A_184], %add3A_182 {strides = array<i32>} : memref<8x256xf32, #tpu.memory_space<vmem>>, vector<16xf32>,
      %get3A_186 = arith.index_cast %add3A_164 : i32 to index
      %get3A_187 = arith.constant 32 : index
      %get3A_188 = tpu.vector_load %arg13[%get3A_186, %get3A_187] {strides = array<i32>} : memref<16x128xf32, #tpu.memory_space<vmem>>, vector<16xf32>,
      %add3A_189 = arith.addf %get3A_46, %add3A_169 : vector<16xf32>
      %add3A_190 = arith.addf %get3A_188, %add3A_189 : vector<16xf32>
      %swap3A_191 = arith.index_cast %scan3A_161 : i32 to index
      %swap3A_192 = arith.constant 32 : index
      %swap3A_193 = tpu.vector_load %arg20[%swap3A_191, %swap3A_192] {strides = array<i32>} : memref<8x256xf32, #tpu.memory_space<vmem>>, vector<16xf32>,
      tpu.vector_store %arg20[%swap3A_191, %swap3A_192], %add3A_190 {strides = array<i32>} : memref<8x256xf32, #tpu.memory_space<vmem>>, vector<16xf32>,
      %get3A_194 = arith.index_cast %add3A_164 : i32 to index
      %get3A_195 = arith.constant 48 : index
      %get3A_196 = tpu.vector_load %arg13[%get3A_194, %get3A_195] {strides = array<i32>} : memref<16x128xf32, #tpu.memory_space<vmem>>, vector<16xf32>,
      %add3A_197 = arith.addf %get3A_50, %add3A_169 : vector<16xf32>
      %add3A_198 = arith.addf %get3A_196, %add3A_197 : vector<16xf32>
      %swap3A_199 = arith.index_cast %scan3A_161 : i32 to index
      %swap3A_200 = arith.constant 48 : index
      %swap3A_201 = tpu.vector_load %arg20[%swap3A_199, %swap3A_200] {strides = array<i32>} : memref<8x256xf32, #tpu.memory_space<vmem>>, vector<16xf32>,
      tpu.vector_store %arg20[%swap3A_199, %swap3A_200], %add3A_198 {strides = array<i32>} : memref<8x256xf32, #tpu.memory_space<vmem>>, vector<16xf32>,
      %get3A_202 = arith.index_cast %add3A_164 : i32 to index
      %get3A_203 = arith.constant 64 : index
      %get3A_204 = tpu.vector_load %arg13[%get3A_202, %get3A_203] {strides = array<i32>} : memref<16x128xf32, #tpu.memory_space<vmem>>, vector<16xf32>,
      %add3A_205 = arith.addf %get3A_54, %add3A_169 : vector<16xf32>
      %add3A_206 = arith.addf %get3A_204, %add3A_205 : vector<16xf32>
      %swap3A_207 = arith.index_cast %scan3A_161 : i32 to index
      %swap3A_208 = arith.constant 64 : index
      %swap3A_209 = tpu.vector_load %arg20[%swap3A_207, %swap3A_208] {strides = array<i32>} : memref<8x256xf32, #tpu.memory_space<vmem>>, vector<16xf32>,
      tpu.vector_store %arg20[%swap3A_207, %swap3A_208], %add3A_206 {strides = array<i32>} : memref<8x256xf32, #tpu.memory_space<vmem>>, vector<16xf32>,
      %get3A_210 = arith.index_cast %add3A_164 : i32 to index
      %get3A_211 = arith.constant 80 : index
      %get3A_212 = tpu.vector_load %arg13[%get3A_210, %get3A_211] {strides = array<i32>} : memref<16x128xf32, #tpu.memory_space<vmem>>, vector<16xf32>,
      %add3A_213 = arith.addf %get3A_58, %add3A_169 : vector<16xf32>
      %add3A_214 = arith.addf %get3A_212, %add3A_213 : vector<16xf32>
      %swap3A_215 = arith.index_cast %scan3A_161 : i32 to index
      %swap3A_216 = arith.constant 80 : index
      %swap3A_217 = tpu.vector_load %arg20[%swap3A_215, %swap3A_216] {strides = array<i32>} : memref<8x256xf32, #tpu.memory_space<vmem>>, vector<16xf32>,
      tpu.vector_store %arg20[%swap3A_215, %swap3A_216], %add3A_214 {strides = array<i32>} : memref<8x256xf32, #tpu.memory_space<vmem>>, vector<16xf32>,
      %get3A_218 = arith.index_cast %add3A_164 : i32 to index
      %get3A_219 = arith.constant 96 : index
      %get3A_220 = tpu.vector_load %arg13[%get3A_218, %get3A_219] {strides = array<i32>} : memref<16x128xf32, #tpu.memory_space<vmem>>, vector<16xf32>,
      %add3A_221 = arith.addf %get3A_62, %add3A_169 : vector<16xf32>
      %add3A_222 = arith.addf %get3A_220, %add3A_221 : vector<16xf32>
      %swap3A_223 = arith.index_cast %scan3A_161 : i32 to index
      %swap3A_224 = arith.constant 96 : index
      %swap3A_225 = tpu.vector_load %arg20[%swap3A_223, %swap3A_224] {strides = array<i32>} : memref<8x256xf32, #tpu.memory_space<vmem>>, vector<16xf32>,
      tpu.vector_store %arg20[%swap3A_223, %swap3A_224], %add3A_222 {strides = array<i32>} : memref<8x256xf32, #tpu.memory_space<vmem>>, vector<16xf32>,
      %get3A_226 = arith.index_cast %add3A_164 : i32 to index
      %get3A_227 = arith.constant 112 : index
      %get3A_228 = tpu.vector_load %arg13[%get3A_226, %get3A_227] {strides = array<i32>} : memref<16x128xf32, #tpu.memory_space<vmem>>, vector<16xf32>,
      %add3A_229 = arith.addf %get3A_66, %add3A_169 : vector<16xf32>
      %add3A_230 = arith.addf %get3A_228, %add3A_229 : vector<16xf32>
      %swap3A_231 = arith.index_cast %scan3A_161 : i32 to index
      %swap3A_232 = arith.constant 112 : index
      %swap3A_233 = tpu.vector_load %arg20[%swap3A_231, %swap3A_232] {strides = array<i32>} : memref<8x256xf32, #tpu.memory_space<vmem>>, vector<16xf32>,
      tpu.vector_store %arg20[%swap3A_231, %swap3A_232], %add3A_230 {strides = array<i32>} : memref<8x256xf32, #tpu.memory_space<vmem>>, vector<16xf32>,
      %get3A_234 = arith.index_cast %add3A_164 : i32 to index
      %get3A_235 = arith.constant 0 : index
      %get3A_236 = tpu.vector_load %arg14[%get3A_234, %get3A_235] {strides = array<i32>} : memref<16x128xf32, #tpu.memory_space<vmem>>, vector<16xf32>,
      %add3A_237 = arith.addf %get3A_70, %add3A_169 : vector<16xf32>
      %add3A_238 = arith.addf %get3A_236, %add3A_237 : vector<16xf32>
      %swap3A_239 = arith.index_cast %scan3A_161 : i32 to index
      %swap3A_240 = arith.constant 128 : index
      %swap3A_241 = tpu.vector_load %arg20[%swap3A_239, %swap3A_240] {strides = array<i32>} : memref<8x256xf32, #tpu.memory_space<vmem>>, vector<16xf32>,
      tpu.vector_store %arg20[%swap3A_239, %swap3A_240], %add3A_238 {strides = array<i32>} : memref<8x256xf32, #tpu.memory_space<vmem>>, vector<16xf32>,
      %get3A_242 = arith.index_cast %add3A_164 : i32 to index
      %get3A_243 = arith.constant 16 : index
      %get3A_244 = tpu.vector_load %arg14[%get3A_242, %get3A_243] {strides = array<i32>} : memref<16x128xf32, #tpu.memory_space<vmem>>, vector<16xf32>,
      %add3A_245 = arith.addf %get3A_74, %add3A_169 : vector<16xf32>
      %add3A_246 = arith.addf %get3A_244, %add3A_245 : vector<16xf32>
      %swap3A_247 = arith.index_cast %scan3A_161 : i32 to index
      %swap3A_248 = arith.constant 144 : index
      %swap3A_249 = tpu.vector_load %arg20[%swap3A_247, %swap3A_248] {strides = array<i32>} : memref<8x256xf32, #tpu.memory_space<vmem>>, vector<16xf32>,
      tpu.vector_store %arg20[%swap3A_247, %swap3A_248], %add3A_246 {strides = array<i32>} : memref<8x256xf32, #tpu.memory_space<vmem>>, vector<16xf32>,
      %get3A_250 = arith.index_cast %add3A_164 : i32 to index
      %get3A_251 = arith.constant 32 : index
      %get3A_252 = tpu.vector_load %arg14[%get3A_250, %get3A_251] {strides = array<i32>} : memref<16x128xf32, #tpu.memory_space<vmem>>, vector<16xf32>,
      %add3A_253 = arith.addf %get3A_78, %add3A_169 : vector<16xf32>
      %add3A_254 = arith.addf %get3A_252, %add3A_253 : vector<16xf32>
      %swap3A_255 = arith.index_cast %scan3A_161 : i32 to index
      %swap3A_256 = arith.constant 160 : index
      %swap3A_257 = tpu.vector_load %arg20[%swap3A_255, %swap3A_256] {strides = array<i32>} : memref<8x256xf32, #tpu.memory_space<vmem>>, vector<16xf32>,
      tpu.vector_store %arg20[%swap3A_255, %swap3A_256], %add3A_254 {strides = array<i32>} : memref<8x256xf32, #tpu.memory_space<vmem>>, vector<16xf32>,
      %get3A_258 = arith.index_cast %add3A_164 : i32 to index
      %get3A_259 = arith.constant 48 : index
      %get3A_260 = tpu.vector_load %arg14[%get3A_258, %get3A_259] {strides = array<i32>} : memref<16x128xf32, #tpu.memory_space<vmem>>, vector<16xf32>,
      %add3A_261 = arith.addf %get3A_82, %add3A_169 : vector<16xf32>
      %add3A_262 = arith.addf %get3A_260, %add3A_261 : vector<16xf32>
      %swap3A_263 = arith.index_cast %scan3A_161 : i32 to index
      %swap3A_264 = arith.constant 176 : index
      %swap3A_265 = tpu.vector_load %arg20[%swap3A_263, %swap3A_264] {strides = array<i32>} : memref<8x256xf32, #tpu.memory_space<vmem>>, vector<16xf32>,
      tpu.vector_store %arg20[%swap3A_263, %swap3A_264], %add3A_262 {strides = array<i32>} : memref<8x256xf32, #tpu.memory_space<vmem>>, vector<16xf32>,
      %get3A_266 = arith.index_cast %add3A_164 : i32 to index
      %get3A_267 = arith.constant 64 : index
      %get3A_268 = tpu.vector_load %arg14[%get3A_266, %get3A_267] {strides = array<i32>} : memref<16x128xf32, #tpu.memory_space<vmem>>, vector<16xf32>,
      %add3A_269 = arith.addf %get3A_86, %add3A_169 : vector<16xf32>
      %add3A_270 = arith.addf %get3A_268, %add3A_269 : vector<16xf32>
      %swap3A_271 = arith.index_cast %scan3A_161 : i32 to index
      %swap3A_272 = arith.constant 192 : index
      %swap3A_273 = tpu.vector_load %arg20[%swap3A_271, %swap3A_272] {strides = array<i32>} : memref<8x256xf32, #tpu.memory_space<vmem>>, vector<16xf32>,
      tpu.vector_store %arg20[%swap3A_271, %swap3A_272], %add3A_270 {strides = array<i32>} : memref<8x256xf32, #tpu.memory_space<vmem>>, vector<16xf32>,
      %get3A_274 = arith.index_cast %add3A_164 : i32 to index
      %get3A_275 = arith.constant 80 : index
      %get3A_276 = tpu.vector_load %arg14[%get3A_274, %get3A_275] {strides = array<i32>} : memref<16x128xf32, #tpu.memory_space<vmem>>, vector<16xf32>,
      %add3A_277 = arith.addf %get3A_90, %add3A_169 : vector<16xf32>
      %add3A_278 = arith.addf %get3A_276, %add3A_277 : vector<16xf32>
      %swap3A_279 = arith.index_cast %scan3A_161 : i32 to index
      %swap3A_280 = arith.constant 208 : index
      %swap3A_281 = tpu.vector_load %arg20[%swap3A_279, %swap3A_280] {strides = array<i32>} : memref<8x256xf32, #tpu.memory_space<vmem>>, vector<16xf32>,
      tpu.vector_store %arg20[%swap3A_279, %swap3A_280], %add3A_278 {strides = array<i32>} : memref<8x256xf32, #tpu.memory_space<vmem>>, vector<16xf32>,
      %get3A_282 = arith.index_cast %add3A_164 : i32 to index
      %get3A_283 = arith.constant 96 : index
      %get3A_284 = tpu.vector_load %arg14[%get3A_282, %get3A_283] {strides = array<i32>} : memref<16x128xf32, #tpu.memory_space<vmem>>, vector<16xf32>,
      %add3A_285 = arith.addf %get3A_94, %add3A_169 : vector<16xf32>
      %add3A_286 = arith.addf %get3A_284, %add3A_285 : vector<16xf32>
      %swap3A_287 = arith.index_cast %scan3A_161 : i32 to index
      %swap3A_288 = arith.constant 224 : index
      %swap3A_289 = tpu.vector_load %arg20[%swap3A_287, %swap3A_288] {strides = array<i32>} : memref<8x256xf32, #tpu.memory_space<vmem>>, vector<16xf32>,
      tpu.vector_store %arg20[%swap3A_287, %swap3A_288], %add3A_286 {strides = array<i32>} : memref<8x256xf32, #tpu.memory_space<vmem>>, vector<16xf32>,
      %get3A_290 = arith.index_cast %add3A_164 : i32 to index
      %get3A_291 = arith.constant 112 : index
      %get3A_292 = tpu.vector_load %arg14[%get3A_290, %get3A_291] {strides = array<i32>} : memref<16x128xf32, #tpu.memory_space<vmem>>, vector<16xf32>,
      %add3A_293 = arith.addf %get3A_98, %add3A_169 : vector<16xf32>
      %add3A_294 = arith.addf %get3A_292, %add3A_293 : vector<16xf32>
      %swap3A_295 = arith.index_cast %scan3A_161 : i32 to index
      %swap3A_296 = arith.constant 240 : index
      %swap3A_297 = tpu.vector_load %arg20[%swap3A_295, %swap3A_296] {strides = array<i32>} : memref<8x256xf32, #tpu.memory_space<vmem>>, vector<16xf32>,
      tpu.vector_store %arg20[%swap3A_295, %swap3A_296], %add3A_294 {strides = array<i32>} : memref<8x256xf32, #tpu.memory_space<vmem>>, vector<16xf32>,
    }
    %scan3A_125 = arith.constant 4 : i32
    %mul3A_126 = arith.constant 8 : i32
    %mul3A_127 = arith.muli %arg0, %mul3A_126 : i32
    %add3A_128 = arith.addi %mul3A_0, %mul3A_127 : i32
    %add3A_129 = arith.constant 4 : i32
    %add3A_130 = arith.addi %add3A_128, %add3A_129 : i32
    %dma_start3A_131 = arith.constant 4 : i32
    %dma_start3A_132 = arith.constant 0 : i32
    %dma_start3A_133 = tpu.memref_slice %arg20[%dma_start3A_131, %dma_start3A_132] : memref<8x256xf32, #tpu.memory_space<vmem>> -> memref<4x256xf32, #tpu.memory_space<vmem>>
    %dma_start3A_134 = arith.constant 0 : i32
    %dma_start3A_135 = tpu.memref_slice %arg9[%add3A_130, %dma_start3A_134] : memref<256x256xf32, #tpu.memory_space<hbm>> -> memref<4x256xf32, #tpu.memory_space<hbm>>
    %dma_start3A_136 = arith.constant 0 : i32
    %dma_start3A_137 = tpu.memref_slice %arg9[%add3A_130, %dma_start3A_136] : memref<256x256xf32, #tpu.memory_space<hbm>> -> memref<4x256xf32, #tpu.memory_space<hbm>>
    %dma_start3A_138 = arith.constant 4 : i32
    %dma_start3A_139 = arith.constant 0 : i32
    %dma_start3A_140 = tpu.memref_slice %arg20[%dma_start3A_138, %dma_start3A_139] : memref<8x256xf32, #tpu.memory_space<vmem>> -> memref<4x256xf32, #tpu.memory_space<vmem>>
    tpu.enqueue_dma source(%dma_start3A_140 : memref<4x256xf32, #tpu.memory_space<vmem>>) target(%dma_start3A_137 : memref<4x256xf32, #tpu.memory_space<hbm>>) target_semaphore(%arg22 : memref<!tpu.dma_semaphore, #tpu.memory_space<semaphore_mem>>)
    "tpu.trace_stop"() : () -> ()
    "tpu.trace_start"() <{level = 10 : i32, message = "ph_write_wait"}> : () -> ()
    %dma_wait3A_141 = arith.constant 0 : i32
    %dma_wait3A_142 = arith.constant 0 : i32
    %dma_wait3A_143 = tpu.memref_slice %arg20[%dma_wait3A_141, %dma_wait3A_142] : memref<8x256xf32, #tpu.memory_space<vmem>> -> memref<4x256xf32, #tpu.memory_space<vmem>>
    %dma_wait3A_144 = arith.constant 0 : i32
    %dma_wait3A_145 = tpu.memref_slice %arg9[%add3A_109, %dma_wait3A_144] : memref<256x256xf32, #tpu.memory_space<hbm>> -> memref<4x256xf32, #tpu.memory_space<hbm>>
    %dma_wait3A_146 = arith.constant 0 : i32
    %dma_wait3A_147 = tpu.memref_slice %arg9[%add3A_109, %dma_wait3A_146] : memref<256x256xf32, #tpu.memory_space<hbm>> -> memref<4x256xf32, #tpu.memory_space<hbm>>
    %dma_wait3A_148 = arith.constant 0 : i32
    %dma_wait3A_149 = arith.constant 0 : i32
    %dma_wait3A_150 = tpu.memref_slice %arg20[%dma_wait3A_148, %dma_wait3A_149] : memref<8x256xf32, #tpu.memory_space<vmem>> -> memref<4x256xf32, #tpu.memory_space<vmem>>
    tpu.wait_dma2 semaphore(%arg22 : memref<!tpu.dma_semaphore, #tpu.memory_space<semaphore_mem>>) src(%dma_wait3A_150 : memref<4x256xf32, #tpu.memory_space<vmem>>) dst(%dma_wait3A_147 : memref<4x256xf32, #tpu.memory_space<hbm>>)
    %dma_wait3A_151 = arith.constant 4 : i32
    %dma_wait3A_152 = arith.constant 0 : i32
    %dma_wait3A_153 = tpu.memref_slice %arg20[%dma_wait3A_151, %dma_wait3A_152] : memref<8x256xf32, #tpu.memory_space<vmem>> -> memref<4x256xf32, #tpu.memory_space<vmem>>
    %dma_wait3A_154 = arith.constant 0 : i32
    %dma_wait3A_155 = tpu.memref_slice %arg9[%add3A_130, %dma_wait3A_154] : memref<256x256xf32, #tpu.memory_space<hbm>> -> memref<4x256xf32, #tpu.memory_space<hbm>>
    %dma_wait3A_156 = arith.constant 0 : i32
    %dma_wait3A_157 = tpu.memref_slice %arg9[%add3A_130, %dma_wait3A_156] : memref<256x256xf32, #tpu.memory_space<hbm>> -> memref<4x256xf32, #tpu.memory_space<hbm>>
    %dma_wait3A_158 = arith.constant 4 : i32
    %dma_wait3A_159 = arith.constant 0 : i32
    %dma_wait3A_160 = tpu.memref_slice %arg20[%dma_wait3A_158, %dma_wait3A_159] : memref<8x256xf32, #tpu.memory_space<vmem>> -> memref<4x256xf32, #tpu.memory_space<vmem>>
    tpu.wait_dma2 semaphore(%arg22 : memref<!tpu.dma_semaphore, #tpu.memory_space<semaphore_mem>>) src(%dma_wait3A_160 : memref<4x256xf32, #tpu.memory_space<vmem>>) dst(%dma_wait3A_157 : memref<4x256xf32, #tpu.memory_space<hbm>>)
    "tpu.trace_stop"() : () -> ()
    return
  }
}

</mosaic_0001>

<sc_bundles>
// kernel: _fm_call.3.cloned.1.call-start
scs
__scs_entry_jumppad:
0x0: {  	(pc) =	sbr.rel $0x88, $3  }
0x1: {  	(tag) =	ssettag $0x0;
	lr =	simm.s32 $0x1  }
0x2: {  	[smem:$0x3F9A] =	sst lr;
	_ =	strace $0xD0000000  }
0x3: {  	_ = 	snop  }
0x4: {  	_ = 	snop  }
0x5: {  	_ = 	snop  }
0x6: {  	_ = 	snop  }
0x7: {  	_ = 	snop  }
__scs_overlays_trampoline_lowered:
0x8: {  	[smem:$0x3FA9] =	sst s0  }
0x9: {  	[smem:$0x3FAA] =	sst s1  }
0xa: {  	[smem:$0x3FAB] =	sst s2  }
0xb: {  	[smem:$0x3FAC] =	sst s3  }
0xc: {  	[smem:$0x3FAD] =	sst s4  }
0xd: {  	[smem:$0x3FAE] =	sst s5  }
0xe: {  	[smem:$0x3FAF] =	sst s6  }
0xf: {  	[smem:$0x3FB0] =	sst s7  }
0x10: {  	[smem:$0x3FB1] =	sst s8  }
0x11: {  	[smem:$0x3FB2] =	sst s9;
	s0 =	simm.s32 @!p0 $0x0  }
0x12: {  	s1 =	sld [smem:$0x3F98];
	s0 =	simm.s32 @p0 $0x1  }
0x13: {  	[smem:$0x3FB3] =	sst s0;
	s0 =	simm.s32 @!p1 $0x0  }
0x14: {  	s2 =	sld [smem:$0x3F97];
	s0 =	simm.s32 @p1 $0x1  }
0x15: {  	[smem:$0x3FB4] =	sst s0;
	s0 =	simm.s32 @!p2 $0x0  }
0x16: {  	s3 =	sld [smem:$0x3FDB];
	s0 =	simm.s32 @p2 $0x1  }
0x17: {  	s4 =	simm.s32 $0x1BF5;
	[smem:$0x3FB6] =	sst s0  }
0x18: {  	s0 =	sld [smem:$0x3F99];
	_ =	swait.ge [sflag:s4], $0x0  }
0x19: {  	s7 =	sld [smem:$0x3F9A]  }
0x1a: {  	s8 =	sadd.s32 $0xFFFFE003, lr  }
0x1b: {  	s9 =	sadd.s32 $0xFFFFFEF7, lr;
	s5 =	simm.s32 $0xFFFFFFFF;
	p2 =	slt.u32 s8, $0xFFFFF086  }
0x1c: {  	p1 =	slt.u32 s9, $0xF7A;
	s5 =	simm.s32 @!p2 $0x0  }
0x1d: {  	s5 =	simm.s32 @p1 $0x1;
	p0 =	seq.s32 s7, s2  }
0x1e: {  	s7 =	smul.u32 @!p0 $0xF7A, s2;
	p2 =	seq.s32 @!p0 s5, $0x0  }
0x1f: {  	s9 =	smul.u32 $0xF7A, s1;
	s8 =	simm.s32 @!p0 $0x1BF5;
	p2 =	por !p2, p0  }
0x20: {  	[sflag:s8] =	ssyncset.s32 @!p0 $0xFFFFF086;
	s6 =	sadd.s32 @!p0 s3, s7;
	s7 =	simm.s32 @!p0 $0x108  }
0x21: {  	s3 =	sadd.s32 s3, s9;
	s6 =	sadd.s32 @!p0 $0x88, s6;
	s7 =	simm.s32 @p2 $0x1082  }
0x22: {  	[simem:s7], [sflag:s8] =	dma.local @!p0 [hbm:s6], $0xF7A  }
0x23: {  	s9 =	sor.u32 $0xD0000000, s2;
	s6 =	simm.s32 $0x108;
	_ =	swait.ge @!p0 [sflag:s8], $0x0  }
0x24: {  	s3 =	sadd.s32 $0x88, s3;
	s6 =	simm.s32 @!p1 $0x1082;
	[sflag:s4] =	ssyncset.s32 $0xFFFFF086  }
0x25: {  	[simem:s6], [sflag:s4] =	dma.local [hbm:s3], $0xF7A  }
0x26: {  	[smem:$0x3F9A] =	sst s1;
	(tag) =	ssettag s2;
	_ =	strace s9  }
0x27: {  	s1 =	sld [smem:$0x3FAA]  }
0x28: {  	s2 =	sld [smem:$0x3FAB]  }
0x29: {  	s4 =	sld [smem:$0x3FAD]  }
0x2a: {  	p0 =	seq.s32 s5, $0x0;
	s5 =	sld [smem:$0x3FAE]  }
0x2b: {  	s6 =	sld [smem:$0x3FAF]  }
0x2c: {  	s7 =	sld [smem:$0x3FB0]  }
0x2d: {  	s3 =	simm.s32 $0x108;
	s8 =	sld [smem:$0x3FB1]  }
0x2e: {  	s3 =	simm.s32 @!p0 $0x1082;
	s9 =	sld [smem:$0x3FB2]  }
0x2f: {  	lr =	sadd.s32 s0, s3;
	s0 =	sld [smem:$0x3FA9]  }
0x30: {  	s3 =	sld [smem:$0x3FAC]  }
0x31: {  	[smem:$0x3FB5] =	sst s10  }
0x32: {  	s10 =	sld [smem:$0x3FB3];
	_ =	sdelay $0x3  }
0x33: {  	p0 =	seq.s32 s10, $0x1;
	s10 =	sld [smem:$0x3FB5];
	_ =	sdelay $0x3  }
0x34: {  	[smem:$0x3FB5] =	sst s10  }
0x35: {  	s10 =	sld [smem:$0x3FB4];
	_ =	sdelay $0x3  }
0x36: {  	p1 =	seq.s32 s10, $0x1;
	s10 =	sld [smem:$0x3FB5];
	_ =	sdelay $0x3  }
0x37: {  	[smem:$0x3FB5] =	sst s10  }
0x38: {  	s10 =	sld [smem:$0x3FB6]  }
0x39: {  	_ = 	snop;
	(pc) =	sbr.ind lr, $3  }
0x3a: {  	_ = 	snop  }
0x3b: {  	_ = 	snop  }
0x3c: {  	p2 =	seq.s32 s10, $0x1;
	s10 =	sld [smem:$0x3FB5]  }
0x3d: {  	_ =	shalt  }
0x3e: {  	_ =	shalt  }
0x3f: {  	_ =	shalt  }
0x40: {  	_ =	shalt  }
0x41: {  	_ =	shalt  }
0x42: {  	_ =	shalt  }
0x43: {  	_ =	shalt  }
0x44: {  	_ =	shalt  }
0x45: {  	_ =	shalt  }
0x46: {  	_ =	shalt  }
0x47: {  	_ =	shalt  }
0x48: {  	_ =	shalt  }
0x49: {  	_ =	shalt  }
0x4a: {  	_ =	shalt  }
0x4b: {  	_ =	shalt  }
0x4c: {  	_ =	shalt  }
0x4d: {  	_ =	shalt  }
0x4e: {  	_ =	shalt  }
0x4f: {  	_ =	shalt  }
0x50: {  	_ =	shalt  }
0x51: {  	_ =	shalt  }
0x52: {  	_ =	shalt  }
0x53: {  	_ =	shalt  }
0x54: {  	_ =	shalt  }
0x55: {  	_ =	shalt  }
0x56: {  	_ =	shalt  }
0x57: {  	_ =	shalt  }
0x58: {  	_ =	shalt  }
0x59: {  	_ =	shalt  }
0x5a: {  	_ =	shalt  }
0x5b: {  	_ =	shalt  }
0x5c: {  	_ =	shalt  }
0x5d: {  	_ =	shalt  }
0x5e: {  	_ =	shalt  }
0x5f: {  	_ =	shalt  }
0x60: {  	_ =	shalt  }
0x61: {  	_ =	shalt  }
0x62: {  	_ =	shalt  }
0x63: {  	_ =	shalt  }
0x64: {  	_ =	shalt  }
0x65: {  	_ =	shalt  }
0x66: {  	_ =	shalt  }
0x67: {  	_ =	shalt  }
0x68: {  	_ =	shalt  }
0x69: {  	_ =	shalt  }
0x6a: {  	_ =	shalt  }
0x6b: {  	_ =	shalt  }
0x6c: {  	_ =	shalt  }
0x6d: {  	_ =	shalt  }
0x6e: {  	_ =	shalt  }
0x6f: {  	_ =	shalt  }
0x70: {  	_ =	shalt  }
0x71: {  	_ =	shalt  }
0x72: {  	_ =	shalt  }
0x73: {  	_ =	shalt  }
0x74: {  	_ =	shalt  }
0x75: {  	_ =	shalt  }
0x76: {  	_ =	shalt  }
0x77: {  	_ =	shalt  }
0x78: {  	_ =	shalt  }
0x79: {  	_ =	shalt  }
0x7a: {  	_ =	shalt  }
0x7b: {  	_ =	shalt  }
0x7c: {  	_ =	shalt  }
0x7d: {  	_ =	shalt  }
0x7e: {  	_ =	shalt  }
0x7f: {  	_ =	shalt  }
0x80: {  	_ =	shalt  }
0x81: {  	_ =	shalt  }
0x82: {  	_ =	shalt  }
0x83: {  	_ =	shalt  }
0x84: {  	_ =	shalt  }
0x85: {  	_ =	shalt  }
0x86: {  	_ =	shalt  }
0x87: {  	_ =	shalt  }
.Lfunc_end0:
.L_simem_size_0:
called_computation_lowered:
.L_overlay_start_0:
0x88: {  	s2 =	sld [smem:$0x3FD9]  }
0x89: {  	s3 =	sld [smem:$0x3FFE];
	_ =	sdelay $0x1  }
0x8a: {  	s1 =	srdreg.scid  }
0x8b: {  	s0 =	sand.u32 $0x1, s1  }
0x8c: {  	s18 =	sshll.u32 s0, $0xA;
	s2 =	sadd.s32 s3, s2  }
0x8d: {  	s2 =	sadd.s32 s2, s18  }
0x8e: {  	[smem:$0x3FC1] =	sst s2  }
0x8f: {  	_ = 	snop  }
0x90: {  	s2 =	sld [smem:$0x3FC9]  }
0x91: {  	s19 =	sld [smem:$0x3FC8]  }
0x92: {  	s4 =	sld [smem:$0x3FC7]  }
0x93: {  	s5 =	sld [smem:$0x3FC6]  }
0x94: {  	s6 =	sld [smem:$0x3FC5]  }
0x95: {  	s7 =	sld [smem:$0x3FC4]  }
0x96: {  	s8 =	sld [smem:$0x3FC3]  }
0x97: {  	s9 =	sld [smem:$0x3FD0];
	(tm) =	ssettm $0x1  }
0x98: {  	s10 =	sld [smem:$0x3FFB];
	_ =	sdelay $0x3  }
0x99: {  	_ =	strace s10  }
0x9a: {  	s10 =	sld [smem:$0x3FFC];
	_ =	sdelay $0x3  }
0x9b: {  	_ =	strace s10  }
0x9c: {  	s10 =	sld [smem:$0x3FFD];
	_ =	sdelay $0x3  }
0x9d: {  	_ =	strace s10  }
0x9e: {  	_ =	strace $0x8FFFFFFF  }
0x9f: {  	s20 =	sld [smem:$0x3FDB];
	_ =	sdelay $0x1  }
0xa0: {  	s11 =	simm.s32 $_scs_section_size  }
0xa1: {  	s12 =	simm.s32 $_size__tile_overlayer_lowered;
	s13 =	simm.s32 $_tile_overlayer_lowered  }
0xa2: {  	s23 =	simm.s32 $0x1BFF;
	s22 =	sshll.u32 s13, $0x1;
	s10 =	sadd.s32 s11, s20  }
0xa3: {  	s14 =	simm.s32 $0x0;
	s21 =	sshll.u32 s12, $0x1;
	s12 =	sadd.s32 s22, s10  }
0xa4: {  	[timem:s14], [sflag:s23] =	dma.local [hbm:s12], s21  }
0xa5: {  	_ =	swait.ge [sflag:s23], s21  }
0xa6: {  	s11 =	ssub.s32 $0x0, s21;
	[sflag:s23] =	ssyncset.done $0x0  }
0xa7: {  	[sflag:s23] =	ssyncadd.s32 s11;
	_ =	sdelay $0x1  }
0xa8: {  	s24 =	simm.s32 $0x1B8B  }
0xa9: {  	_ =	swait.ge [sflag:s24], $0x1  }
0xaa: {  	[sflag:s24] =	ssyncset.done $0x0  }
0xab: {  	s25 =	simm.s32 $0x1B8E;
	[sflag:s24] =	ssyncadd.s32 $0xFFFFFFFF  }
0xac: {  	s26 =	simm.s32 $execute0_lowered;
	[smem:$0x3FD2] =	sst s25  }
0xad: {  	s11 =	sshll.u32 s26, $0x1;
	_ =	strace $0x80000046;
	[dreg:$0x1] =	wrdreg $0xFFFFFFFF  }
0xae: {  	s28 =	simm.s32 $_size_execute0_lowered;
	s10 =	sadd.s32 s10, s11;
	[dreg:$0x0] =	wrdreg $0x0  }
0xaf: {  	s11 =	sshll.u32 s28, $0x1;
	[dreg:$0x2] =	wrdreg s10  }
0xb0: {  	[dreg:$0x3] =	wrdreg s11  }
0xb1: {  	[dreg:$0x4] =	wrdreg $0xC0  }
0xb2: {  	_ =	task [dreg:s14], $0x5FFFF  }
0xb3: {  	[dreg:$0x1] =	wrdreg $0xFFFFFFFF  }
0xb4: {  	[dreg:$0x0] =	wrdreg $0x60  }
0xb5: {  	[dreg:$0x2] =	wrdreg s2  }
0xb6: {  	[dreg:$0x3] =	wrdreg s19  }
0xb7: {  	[dreg:$0x4] =	wrdreg s4  }
0xb8: {  	[dreg:$0x5] =	wrdreg s5  }
0xb9: {  	[dreg:$0x6] =	wrdreg s6  }
0xba: {  	[dreg:$0x7] =	wrdreg s7  }
0xbb: {  	[dreg:$0x8] =	wrdreg s8  }
0xbc: {  	[dreg:$0x9] =	wrdreg s9  }
0xbd: {  	[dreg:$0xa] =	wrdreg $0x9  }
0xbe: {  	_ =	task.clear_ibuf [dreg:s14], $0xBFFFF;
	_ =	strace $0x90000046  }
0xbf: {  	s29 =	simm.s32 $0x9;
	_ =	strace $0x8000004E  }
0xc0: {  	_ =	swait.ge [sflag:s29], $0x1  }
0xc1: {  	[sflag:s29] =	ssyncadd.s32 $0xFFFFFFFF  }
0xc2: {  	_ =	strace $0x9000004E  }
0xc3: {  	_ =	sfence  }
0xc4: {  	s30 =	sld [smem:$0x0];
	_ =	sdelay $0x2  }
0xc5: {  	s31 =	sshll.u32 s1, $0xD;
	s1 =	sshrl.u32 s1, $0x2  }
0xc6: {  	s3 =	sand.u32 $0x4000, s31;
	s1 =	sadd.s32 s1, s30  }
0xc7: {  	s0 =	sor.u32 s3, s0;
	s1 =	sshll.u32 s1, $0x11  }
0xc8: {  	s0 =	sor.u32 s1, s0  }
0xc9: {  	s0 =	sadd.s32 $0x8F2B, s0  }
0xca: {  	[sflag:s0] =	ssyncadd.remote.s32 $0x1  }
0xcb: {  	_ =	sfence.sel $0xFFFF  }
0xcc: {  	[dreg:$0x0] =	wrdreg $0xFFFFFFFF;
	(pc) =	sbr.abs _section_cstart, $3  }
0xcd: {  	[dreg:$0x1] =	wrdreg $0xFFFFFFFF  }
0xce: {  	_ =	task.clear_ibuf [dreg:s14], $0x2FFFF;
	_ =	strace $0x9FFFFFFF  }
0xcf: {  	(tm) =	ssettm $0x7FFFFFFF  }
tec
execute0_lowered:
.L_overlay_start_1:
0x0: {  	(tag) =	ssettag $0x1  }
0x1: {  	s0 =	rddreg [dreg:$0x0]  }
0x2: {  	s1 =	rddreg [dreg:$0x1]  }
0x3: {  	s3 =	rddreg [dreg:$0x4]  }
0x4: {  	s4 =	rddreg [dreg:$0x5]  }
0x5: {  	s5 =	rddreg [dreg:$0x6]  }
0x6: {  	s7 =	rddreg [dreg:$0x7];
	s6 =	simm.s32 $0x0  }
0x7: {  	s8 =	srdreg.scid;
	s2 =	stileid.u32;
	s15 =	simm.s32 $0x80  }
0x8: {  	s16 =	simm.s32 $0x1;
	s17 =	simm.s32 $0x10;
	s18 =	simm.s32 $0x100  }
0x9: {  	s19 =	simm.s32 $0x900;
	s20 =	simm.s32 $0x1100;
	s21 =	simm.s32 $0x1180  }
0xa: {  	s22 =	simm.s32 $0x1200;
	s23 =	simm.s32 $0x2;
	s29 =	simm.s32 $0x2100  }
0xb: {  	s30 =	simm.s32 $0x0;
	[smem:$0x7FF] =	sst s6;
	s13 =	sand.u32 $0x1, s8  }
0xc: {  	s10 =	sshll.u32 s2, $0x9;
	s24 =	sshll.u32 s2, $0x1;
	_ =	strace $0x80000047  }
0xd: {  	s8 =	ssub.s32 $0x2, s13;
	s11 =	sshll.u32 s13, $0x8;
	s25 =	sshll.u32 s13, $0xA  }
0xe: {  	s9 =	sshrl.u32 s8, $0x1;
	s10 =	sor.u32 s11, s10;
	s11 =	sshll.u32 s13, $0x3  }
0xf: {  	s26 =	sor.u32 $0x970, s25;
	s31 =	sor.u32 $0x170, s25;
	s28 =	sor.u32 $0xB70, s25  }
0x10: {  	s14 =	ssub.s32 s8, s9;
	s8 =	sadd.s32 s0, s24;
	s9 =	sadd.s32 s1, s24  }
0x11: {  	v4 =	vlaneseq.u32;
	s10 =	sadd.s32 s7, s10;
	s0 =	sor.u32 $0x370, s25;
	s24 =	simm.s32 $0x3  }
0x12: {  	v4 =	vmul.u32 $0x80, v4;
	v1 =	vmov s26;
	s25 =	simm.s32 $0x1B00;
	s26 =	simm.s32 $0x1F00;
	v3 =	vmov s28;
	s28 =	simm.s32 $0x1D00  }
0x13: {  	v0 =	vmov s31;
	s12 =	sadd.s32 $0x40, s10;
	s13 =	smax.u32 s14, $0x1;
	s14 =	sor.u32 $0x4, s11;
	v2 =	vmov s0  }
.LBB2_1:
0x14: {  	_ =	strace $0x80000048  }
0x15: {  	[tilespmem:s6], [sflag:$0x1] =	stream.linear.gather [hbm4b:s8+s6], $0x10, $0x200038;
	[tilespmem:$0x2300] =	vst v63  }
0x16: {  	_ = 	snop  }
0x17: {  	[tilespmem:s15], [sflag:$0x1] =	stream.linear.gather [hbm4b:s9+s6], $0x10, $0x200038;
	[tilespmem:$0x2300] =	vst v63  }
0x18: {  	_ =	swait.ge [sflag:s16], $0x10  }
0x19: {  	[sflag:s16] =	ssyncset.done $0x0  }
0x1a: {  	[sflag:s16] =	ssyncadd.s32 $0xFFFFFFF0  }
0x1b: {  	_ =	swait.ge [sflag:s16], $0x10  }
0x1c: {  	[sflag:s16] =	ssyncset.done $0x0  }
0x1d: {  	[sflag:s16] =	ssyncadd.s32 $0xFFFFFFF0  }
0x1e: {  	_ =	strace $0x90000048  }
0x1f: {  	s0 =	rddreg [dreg:$0x2]  }
0x20: {  	[tilespmem:s18], [sflag:$0x2] =	stream.indirect.gather [hbm4b:s0+s17], $0x80, s6, s17, $0xb8;
	[tilespmem:$0x2300] =	vst v63  }
0x21: {  	s1 =	rddreg [dreg:$0x3]  }
0x22: {  	[tilespmem:s19], [sflag:$0x2] =	stream.indirect.gather [hbm4b:s1+s17], $0x80, s15, s17, $0xb8;
	[tilespmem:$0x2300] =	vst v63  }
0x23: {  	_ = 	snop  }
0x24: {  	[tilespmem:s20], [sflag:$0x3] =	stream.indirect.gather [hbm4b:s3+s17], $0x1, s6, s17, $0xb8;
	[tilespmem:$0x2300] =	vst v63  }
0x25: {  	_ = 	snop  }
0x26: {  	[tilespmem:s21], [sflag:$0x3] =	stream.indirect.gather [hbm4b:s4+s17], $0x1, s15, s17, $0xb8;
	[tilespmem:$0x2300] =	vst v63  }
0x27: {  	s2 =	simm.s32 $0x2  }
0x28: {  	[tilespmem:s22], [sflag:$0x3] =	stream.linear.gather [hbm4b:s5+s6], $0x80, $0x38;
	[tilespmem:$0x2300] =	vst v63  }
0x29: {  	v5 =	vmov s2;
	_ =	strace $0x80000049  }
0x2a: {  	v5 =	vand.u32 $0x7E, v5;
	_ =	swait.ge [sflag:s23], $0x800  }
0x2b: {  	s7 =	simm.s32 $0x1;
	v6 =	vmov s6;
	v5 =	vbroadcast v5, $0x0;
	[sflag:s23] =	ssyncset.done $0x0  }
0x2c: {  	v7 =	vmov s7;
	v6 =	vand.u32 $0x7C, v6;
	[sflag:s23] =	ssyncadd.s32 $0xFFFFF800  }
0x2d: {  	v7 =	vand.u32 $0x7D, v7;
	v8 =	vor.u32 v4, v5;
	v5 =	vbroadcast v6, $0x0;
	_ =	swait.ge [sflag:s23], $0x800  }
0x2e: {  	s2 =	simm.s32 $0x5;
	v6 =	vbroadcast v7, $0x0;
	s1 =	simm.s32 $0x3;
	[sflag:s23] =	ssyncset.done $0x0  }
0x2f: {  	s7 =	simm.s32 $0x7;
	v11 =	vmov s2;
	v9 =	vor.u32 v4, v5;
	v5 =	vmov s1;
	[sflag:s23] =	ssyncadd.s32 $0xFFFFF800  }
0x30: {  	s31 =	simm.s32 $0x6;
	v13 =	vmov s7;
	v6 =	vor.u32 v4, v6;
	v10 =	vand.u32 $0x7F, v5;
	_ =	strace $0x90000049  }
0x31: {  	v11 =	vand.u32 $0x7D, v11;
	v7 =	vmov s31;
	s31 =	simm.s32 $0x4;
	v10 =	vbroadcast v10, $0x0;
	_ =	strace $0x8000004A  }
0x32: {  	v13 =	vand.u32 $0x7F, v13;
	v7 =	vand.u32 $0x7E, v7;
	v14 =	vmov s31;
	v12 =	vld.idx.msk [tilespmem:v8+s19+$0x0], $0xffff  }
0x33: {  	s2 =	simm.s32 $0x9;
	s7 =	simm.s32 $0xA;
	v7 =	vbroadcast v7, $0x0;
	v14 =	vand.u32 $0x7C, v14;
	v10 =	vor.u32 v4, v10;
	v8 =	vld.idx.msk [tilespmem:v8+s18+$0x0], $0xffff  }
0x34: {  	v17 =	vmov s2;
	v18 =	vmov s7;
	v14 =	vbroadcast v14, $0x0;
	v15 =	vld.idx.msk [tilespmem:v9+s18+$0x0], $0xffff  }
0x35: {  	v11 =	vbroadcast v11, $0x0;
	v13 =	vbroadcast v13, $0x0;
	v7 =	vor.u32 v4, v7;
	v16 =	vld.idx.msk [tilespmem:v6+s18+$0x0], $0xffff  }
0x36: {  	v18 =	vand.u32 $0x7E, v18;
	s31 =	simm.s32 $0xB;
	v20 =	vor.u32 v4, v14;
	v14 =	vand.u32 $0x7D, v17;
	v19 =	vld.idx.msk [tilespmem:v6+s19+$0x0], $0xffff  }
0x37: {  	v17 =	vbroadcast v18, $0x0;
	v18 =	vor.u32 v4, v11;
	v6 =	vmov s31;
	v9 =	vld.idx.msk [tilespmem:v9+s19+$0x0], $0xffff  }
0x38: {  	s2 =	simm.s32 $0x8;
	v11 =	vor.u32 v4, v13;
	v13 =	vld.idx.msk [tilespmem:v10+s19+$0x0], $0xffff;
	v6 =	vand.u32 $0x7F, v6  }
0x39: {  	v10 =	vld.idx.msk [tilespmem:v10+s18+$0x0], $0xffff;
	v23 =	vbroadcast v6, $0x0;
	v6 =	vmov s2  }
0x3a: {  	v17 =	vor.u32 v4, v17;
	v5 =	vimm.f32 $0.0e+00;
	v22 =	vld.idx.msk [tilespmem:v7+s19+$0x0], $0xffff;
	s31 =	simm.s32 $0xE;
	s2 =	simm.s32 $0xF;
	v6 =	vand.u32 $0x7C, v6  }
0x3b: {  	v7 =	vld.idx.msk [tilespmem:v7+s18+$0x0], $0xffff;
	v21 =	vmov s31;
	v24 =	vmov s2;
	v27 =	vbroadcast v6, $0x0  }
0x3c: {  	v6 =	vld.idx.msk [tilespmem:v18+s18+$0x0], $0xffff;
	v24 =	vand.u32 $0x7F, v24;
	v8 =	vmul.f32 v12, v8;
	v12 =	vbroadcast v14, $0x0  }
0x3d: {  	v14 =	vld.idx.msk [tilespmem:v20+s18+$0x0], $0xffff;
	v28 =	vmul.f32 v19, v16;
	v16 =	vand.u32 $0x7E, v21;
	v29 =	vmul.f32 v9, v15  }
0x3e: {  	s7 =	simm.s32 $0xD;
	v23 =	vor.u32 v4, v23;
	v9 =	vld.idx.msk [tilespmem:v20+s19+$0x0], $0xffff;
	v20 =	vmul.f32 v13, v10;
	v21 =	vbroadcast v16, $0x0  }
0x3f: {  	v15 =	vor.u32 v4, v27;
	v16 =	vld.idx.msk [tilespmem:v17+s18+$0x0], $0xffff;
	v25 =	vadd.f32 v8, v5;
	v8 =	vmov s7  }
0x40: {  	s31 =	simm.s32 $0xC;
	v27 =	vmul.f32 v22, v7;
	v19 =	vor.u32 v4, v12;
	v26 =	vand.u32 $0x7D, v8;
	v8 =	vld.idx.msk [tilespmem:v18+s19+$0x0], $0xffff  }
0x41: {  	v22 =	vbroadcast v24, $0x0;
	v24 =	vmov s31;
	v12 =	vld.idx.msk [tilespmem:v17+s19+$0x0], $0xffff;
	v7 =	vadd.f32 v29, v5  }
0x42: {  	s0 =	simm.s32 $0x10;
	v10 =	vadd.f32 v28, v5;
	v17 =	vld.idx.msk [tilespmem:v11+s19+$0x0], $0xffff;
	v18 =	vbroadcast v26, $0x0;
	v13 =	vadd.f32 v27, v25  }
.LBB2_2:
0x43: {  	s1 =	sadd.s32 $0x1, s0;
	s7 =	sadd.s32 $0x2, s0;
	s31 =	sadd.s32 $0x3, s0;
	v24 =	vand.u32 $0x7C, v24;
	v25 =	vor.u32 v4, v21;
	v26 =	vld.idx.msk [tilespmem:v11+s18+$0x0], $0xffff;
	v5 =	vadd.f32 v20, v5;
	v27 =	vmovc v22  }
0x44: {  	p0 =	sne.s32 s0, $0x7C;
	v11 =	vmovc v23;
	v20 =	vmov s1;
	v21 =	vmov s7;
	v22 =	vmov s31;
	v28 =	vld.idx.msk [tilespmem:v15+s18+$0x0], $0xffff;
	s1 =	smov.u32 s0;
	s0 =	sadd.s32 $0x4, s0  }
0x45: {  	v23 =	vbroadcast v24, $0x0;
	v24 =	vmul.f32 v8, v6;
	v20 =	vand.u32 $0x7D, v20;
	v6 =	vld.idx.msk [tilespmem:v19+s18+$0x0], $0xffff  }
.Ltmp0:
0x46: {  	v14 =	vmul.f32 v9, v14;
	v21 =	vand.u32 $0x7E, v21;
	v22 =	vand.u32 $0x7F, v22;
	v8 =	vld.idx.msk [tilespmem:v19+s19+$0x0], $0xffff;
	(pc) =	sbr.rel @p0 .LBB2_2-.Ltmp0, $4  }
0x47: {  	v21 =	vbroadcast v21, $0x0;
	v29 =	vmul.f32 v12, v16;
	v9 =	vld.idx.msk [tilespmem:v15+s19+$0x0], $0xffff;
	v15 =	vor.u32 v4, v23  }
0x48: {  	v19 =	vor.u32 v4, v18;
	v18 =	vbroadcast v20, $0x0;
	v7 =	vadd.f32 v14, v7;
	v12 =	vld.idx.msk [tilespmem:v25+s19+$0x0], $0xffff  }
0x49: {  	v22 =	vbroadcast v22, $0x0;
	v10 =	vadd.f32 v24, v10;
	v20 =	vmul.f32 v17, v26;
	v16 =	vld.idx.msk [tilespmem:v25+s18+$0x0], $0xffff  }
0x4a: {  	v24 =	vmov s1;
	v23 =	vor.u32 v4, v27;
	v13 =	vadd.f32 v29, v13;
	v14 =	vmovc v28;
	v17 =	vld.idx.msk [tilespmem:v11+s19+$0x0], $0xffff  }
0x4b: {  	_ =	sdelay $0x3  }
0x4c: {  	v11 =	vld.idx.msk [tilespmem:v11+s18+$0x0], $0xffff  }
0x4d: {  	v25 =	vld.idx.msk [tilespmem:v15+s18+$0x0], $0xffff  }
0x4e: {  	v21 =	vor.u32 v4, v21;
	v26 =	vld.idx.msk [tilespmem:v19+s18+$0x0], $0xffff  }
0x4f: {  	v19 =	vld.idx.msk [tilespmem:v19+s19+$0x0], $0xffff  }
0x50: {  	v15 =	vld.idx.msk [tilespmem:v15+s19+$0x0], $0xffff;
	v18 =	vor.u32 v4, v18  }
0x51: {  	v24 =	vand.u32 $0x7C, v24;
	v28 =	vld.idx.msk [tilespmem:v23+s19+$0x0], $0xffff  }
0x52: {  	v22 =	vor.u32 v4, v22;
	v23 =	vld.idx.msk [tilespmem:v23+s18+$0x0], $0xffff;
	v24 =	vbroadcast v24, $0x0  }
0x53: {  	v27 =	vld.idx.msk [tilespmem:v21+s19+$0x0], $0xffff  }
0x54: {  	v24 =	vor.u32 v4, v24;
	v21 =	vld.idx.msk [tilespmem:v21+s18+$0x0], $0xffff  }
0x55: {  	v30 =	vld.idx.msk [tilespmem:v18+s18+$0x0], $0xffff  }
0x56: {  	v18 =	vld.idx.msk [tilespmem:v18+s19+$0x0], $0xffff  }
0x57: {  	v6 =	vmul.f32 v8, v6;
	v8 =	vmul.f32 v9, v14;
	v9 =	vld.idx.msk [tilespmem:v22+s19+$0x0], $0xffff  }
0x58: {  	v14 =	vld.idx.msk [tilespmem:v22+s18+$0x0], $0xffff  }
0x59: {  	v5 =	vadd.f32 v20, v5;
	v12 =	vmul.f32 v12, v16;
	v29 =	vld.idx.msk [tilespmem:v24+s18+$0x0], $0xffff  }
0x5a: {  	v6 =	vadd.f32 v6, v10;
	v7 =	vadd.f32 v8, v7;
	v24 =	vld.idx.msk [tilespmem:v24+s19+$0x0], $0xffff  }
0x5b: {  	v8 =	vmul.f32 v17, v11;
	v10 =	vadd.f32 v12, v13;
	v12 =	vmul.f32 v15, v25  }
0x5c: {  	v11 =	vmul.f32 v19, v26  }
0x5d: {  	v13 =	vmul.f32 v28, v23;
	v5 =	vadd.f32 v8, v5;
	v7 =	vadd.f32 v12, v7  }
0x5e: {  	v6 =	vadd.f32 v11, v6;
	v8 =	vmul.f32 v27, v21;
	v12 =	vmul.f32 v18, v30  }
0x5f: {  	v5 =	vadd.f32 v13, v5;
	v9 =	vmul.f32 v9, v14;
	v11 =	vmul.f32 v24, v29  }
0x60: {  	v8 =	vadd.f32 v8, v10;
	v6 =	vadd.f32 v12, v6  }
0x61: {  	v5 =	vadd.f32 v9, v5;
	v7 =	vadd.f32 v11, v7;
	_ =	sdelay $0x1  }
0x62: {  	v5 =	vadd.f32 v5, v8;
	v6 =	vadd.f32 v6, v7;
	_ =	sdelay $0x1  }
0x63: {  	v5 =	vadd.f32 v5, v6;
	_ =	sdelay $0x1  }
0x64: {  	[tilespmem:$0x1280] =	vst v5  }
0x65: {  	_ =	strace $0x9000004A  }
0x66: {  	_ =	strace $0x8000004B  }
0x67: {  	_ =	swait.ge [sflag:s24], $0x10  }
0x68: {  	[sflag:s24] =	ssyncset.done $0x0  }
0x69: {  	[sflag:s24] =	ssyncadd.s32 $0xFFFFFFF0  }
0x6a: {  	_ =	swait.ge [sflag:s24], $0x10  }
0x6b: {  	[sflag:s24] =	ssyncset.done $0x0  }
0x6c: {  	[sflag:s24] =	ssyncadd.s32 $0xFFFFFFF0  }
0x6d: {  	_ =	swait.ge [sflag:s24], $0x80  }
0x6e: {  	[sflag:s24] =	ssyncset.done $0x0  }
0x6f: {  	[sflag:s24] =	ssyncadd.s32 $0xFFFFFF80  }
0x70: {  	_ =	strace $0x9000004B  }
0x71: {  	v20 =	vld [tilespmem:$0x1300]  }
0x72: {  	v19 =	vld [tilespmem:$0x1380]  }
0x73: {  	v18 =	vld [tilespmem:$0x1400]  }
0x74: {  	v17 =	vld [tilespmem:$0x1480]  }
0x75: {  	v16 =	vld [tilespmem:$0x1500]  }
0x76: {  	v15 =	vld [tilespmem:$0x1580]  }
0x77: {  	v14 =	vld [tilespmem:$0x1600]  }
0x78: {  	v13 =	vld [tilespmem:$0x1680]  }
0x79: {  	v12 =	vld [tilespmem:$0x1700]  }
0x7a: {  	v11 =	vld [tilespmem:$0x1780]  }
0x7b: {  	v10 =	vld [tilespmem:$0x1800]  }
0x7c: {  	v9 =	vld [tilespmem:$0x1880]  }
0x7d: {  	v22 =	vmov s11;
	v8 =	vld [tilespmem:$0x1900]  }
0x7e: {  	v7 =	vld [tilespmem:$0x1980]  }
0x7f: {  	v6 =	vld [tilespmem:$0x1A00]  }
0x80: {  	v5 =	vld [tilespmem:$0x1A80]  }
0x81: {  	v21 =	vld.msk [tilespmem:s22+$0x0], $0xffff;
	_ =	strace $0x8000004C  }
0x82: {  	v23 =	vld.idx.msk [tilespmem:v22+s20+$0x0], $0xffff  }
0x83: {  	v22 =	vld.idx.msk [tilespmem:v22+s21+$0x0], $0xffff;
	_ =	sdelay $0x4  }
0x84: {  	s31 =	simm.s32 $0x0;
	v22 =	vadd.f32 v22, v23  }
0x85: {  	v23 =	vld.idx.msk [tilespmem:v0+s31+$0xFFFFFF90 ss:$0x1], $0xffff  }
0x86: {  	v22 =	vadd.f32 v22, v21;
	_ =	sdelay $0x1  }
0x87: {  	v48 =	vadd.f32 v22, v20;
	_ =	sdelay $0x1  }
0x88: {  	v23 =	vadd.f32 v48, v23;
	_ =	sdelay $0x1  }
0x89: {  	[tilespmem:s31+$0x1B00] =	vst v23  }
0x8a: {  	v23 =	vld.idx.msk [tilespmem:v0+s31+$0xFFFFFFA0 ss:$0x1], $0xffff;
	_ =	sdelay $0x2  }
0x8b: {  	v49 =	vadd.f32 v22, v19;
	_ =	sdelay $0x1  }
0x8c: {  	v23 =	vadd.f32 v49, v23;
	_ =	sdelay $0x1  }
0x8d: {  	[tilespmem:s31+$0x1B10] =	vst v23  }
0x8e: {  	v23 =	vld.idx.msk [tilespmem:v0+s31+$0xFFFFFFB0 ss:$0x1], $0xffff;
	_ =	sdelay $0x2  }
0x8f: {  	v50 =	vadd.f32 v22, v18;
	_ =	sdelay $0x1  }
0x90: {  	v23 =	vadd.f32 v23, v50;
	_ =	sdelay $0x1  }
0x91: {  	[tilespmem:s31+$0x1B20] =	vst v23  }
0x92: {  	v23 =	vld.idx.msk [tilespmem:v0+s31+$0xFFFFFFC0 ss:$0x1], $0xffff;
	_ =	sdelay $0x2  }
0x93: {  	v51 =	vadd.f32 v22, v17;
	_ =	sdelay $0x1  }
0x94: {  	v23 =	vadd.f32 v23, v51;
	_ =	sdelay $0x1  }
0x95: {  	[tilespmem:s31+$0x1B30] =	vst v23  }
0x96: {  	v23 =	vld.idx.msk [tilespmem:v0+s31+$0xFFFFFFD0 ss:$0x1], $0xffff;
	_ =	sdelay $0x2  }
0x97: {  	v52 =	vadd.f32 v22, v16;
	_ =	sdelay $0x1  }
0x98: {  	v23 =	vadd.f32 v23, v52;
	_ =	sdelay $0x1  }
0x99: {  	[tilespmem:s31+$0x1B40] =	vst v23  }
0x9a: {  	v23 =	vld.idx.msk [tilespmem:v0+s31+$0xFFFFFFE0 ss:$0x1], $0xffff;
	_ =	sdelay $0x2  }
0x9b: {  	v53 =	vadd.f32 v22, v15;
	_ =	sdelay $0x1  }
0x9c: {  	v23 =	vadd.f32 v23, v53;
	_ =	sdelay $0x1  }
0x9d: {  	[tilespmem:s31+$0x1B50] =	vst v23  }
0x9e: {  	v23 =	vld.idx.msk [tilespmem:v0+s31+$0xFFFFFFF0 ss:$0x1], $0xffff;
	_ =	sdelay $0x2  }
0x9f: {  	v54 =	vadd.f32 v22, v14;
	_ =	sdelay $0x1  }
0xa0: {  	v23 =	vadd.f32 v23, v54;
	_ =	sdelay $0x1  }
0xa1: {  	[tilespmem:s31+$0x1B60] =	vst v23  }
0xa2: {  	v23 =	vld.idx.msk [tilespmem:v0+s31+$0x0 ss:$0x1], $0xffff;
	_ =	sdelay $0x2  }
0xa3: {  	v55 =	vadd.f32 v22, v13;
	_ =	sdelay $0x1  }
0xa4: {  	v23 =	vadd.f32 v23, v55;
	_ =	sdelay $0x1  }
0xa5: {  	[tilespmem:s31+$0x1B70] =	vst v23  }
0xa6: {  	v23 =	vld.idx.msk [tilespmem:v1+s31+$0xFFFFFF90 ss:$0x1], $0xffff;
	_ =	sdelay $0x2  }
0xa7: {  	v56 =	vadd.f32 v22, v12;
	_ =	sdelay $0x1  }
0xa8: {  	v23 =	vadd.f32 v23, v56;
	_ =	sdelay $0x1  }
0xa9: {  	[tilespmem:s31+$0x1F00] =	vst v23  }
0xaa: {  	v23 =	vld.idx.msk [tilespmem:v1+s31+$0xFFFFFFA0 ss:$0x1], $0xffff;
	_ =	sdelay $0x2  }
0xab: {  	v57 =	vadd.f32 v22, v11;
	_ =	sdelay $0x1  }
0xac: {  	v23 =	vadd.f32 v23, v57;
	_ =	sdelay $0x1  }
0xad: {  	[tilespmem:s31+$0x1F10] =	vst v23  }
0xae: {  	v23 =	vld.idx.msk [tilespmem:v1+s31+$0xFFFFFFB0 ss:$0x1], $0xffff;
	_ =	sdelay $0x2  }
0xaf: {  	v58 =	vadd.f32 v22, v10;
	_ =	sdelay $0x1  }
0xb0: {  	v23 =	vadd.f32 v23, v58;
	_ =	sdelay $0x1  }
0xb1: {  	[tilespmem:s31+$0x1F20] =	vst v23  }
0xb2: {  	v23 =	vld.idx.msk [tilespmem:v1+s31+$0xFFFFFFC0 ss:$0x1], $0xffff;
	_ =	sdelay $0x2  }
0xb3: {  	v59 =	vadd.f32 v22, v9;
	_ =	sdelay $0x1  }
0xb4: {  	v23 =	vadd.f32 v23, v59;
	_ =	sdelay $0x1  }
0xb5: {  	[tilespmem:s31+$0x1F30] =	vst v23  }
0xb6: {  	v23 =	vld.idx.msk [tilespmem:v1+s31+$0xFFFFFFD0 ss:$0x1], $0xffff;
	_ =	sdelay $0x2  }
0xb7: {  	v60 =	vadd.f32 v22, v8;
	_ =	sdelay $0x1  }
0xb8: {  	v23 =	vadd.f32 v23, v60;
	_ =	sdelay $0x1  }
0xb9: {  	[tilespmem:s31+$0x1F40] =	vst v23  }
0xba: {  	v23 =	vld.idx.msk [tilespmem:v1+s31+$0xFFFFFFE0 ss:$0x1], $0xffff;
	_ =	sdelay $0x2  }
0xbb: {  	v61 =	vadd.f32 v22, v7;
	_ =	sdelay $0x1  }
0xbc: {  	v23 =	vadd.f32 v23, v61;
	_ =	sdelay $0x1  }
0xbd: {  	[tilespmem:s31+$0x1F50] =	vst v23  }
0xbe: {  	v23 =	vld.idx.msk [tilespmem:v1+s31+$0xFFFFFFF0 ss:$0x1], $0xffff;
	_ =	sdelay $0x2  }
0xbf: {  	v62 =	vadd.f32 v22, v6;
	_ =	sdelay $0x1  }
0xc0: {  	v23 =	vadd.f32 v23, v62;
	_ =	sdelay $0x1  }
0xc1: {  	[tilespmem:s31+$0x1F60] =	vst v23  }
0xc2: {  	v23 =	vld.idx.msk [tilespmem:v1+s31+$0x0 ss:$0x1], $0xffff;
	_ =	sdelay $0x1  }
0xc3: {  	s7 =	sadd.s32 $0x1, s11  }
0xc4: {  	v63 =	vadd.f32 v22, v5;
	v22 =	vmov s7;
	_ =	sdelay $0x1  }
0xc5: {  	s0 =	simm.s32 $0x200;
	s1 =	simm.s32 $0x400;
	v23 =	vadd.f32 v23, v63  }
.LBB2_4:
0xc6: {  	p0 =	sne.s32 s1, $0x600;
	s2 =	smov.u32 s1;
	s1 =	sadd.s32 $0x200, s1  }
0xc7: {  	[tilespmem:s31+$0x1F70] =	vst v23  }
0xc8: {  	v23 =	vld.idx.msk [tilespmem:v22+s20+$0x0], $0xffff  }
0xc9: {  	v22 =	vld.idx.msk [tilespmem:v22+s21+$0x0], $0xffff;
	_ =	sdelay $0x3  }
0xca: {  	s31 =	sshra.s32 s0, $0x2;
	s0 =	smov.u32 s2  }
0xcb: {  	v24 =	vld.idx.msk [tilespmem:v0+s31+$0xFFFFFF90 ss:$0x1], $0xffff  }
0xcc: {  	v22 =	vadd.f32 v22, v23;
	_ =	sdelay $0x1  }
0xcd: {  	v22 =	vadd.f32 v22, v21;
	_ =	sdelay $0x1  }
0xce: {  	v23 =	vadd.f32 v22, v20;
	_ =	sdelay $0x1  }
0xcf: {  	v23 =	vadd.f32 v23, v24;
	_ =	sdelay $0x1  }
0xd0: {  	[tilespmem:s31+$0x1B00] =	vst v23  }
0xd1: {  	v23 =	vld.idx.msk [tilespmem:v0+s31+$0xFFFFFFA0 ss:$0x1], $0xffff;
	_ =	sdelay $0x2  }
0xd2: {  	v24 =	vadd.f32 v22, v19;
	_ =	sdelay $0x2  }
0xd3: {  	v23 =	vadd.f32 v24, v23;
	_ =	sdelay $0x1  }
0xd4: {  	[tilespmem:s31+$0x1B10] =	vst v23  }
0xd5: {  	v23 =	vld.idx.msk [tilespmem:v0+s31+$0xFFFFFFB0 ss:$0x1], $0xffff;
	_ =	sdelay $0x2  }
0xd6: {  	v24 =	vadd.f32 v22, v18;
	_ =	sdelay $0x2  }
0xd7: {  	v23 =	vadd.f32 v23, v24;
	_ =	sdelay $0x1  }
0xd8: {  	[tilespmem:s31+$0x1B20] =	vst v23  }
0xd9: {  	v23 =	vld.idx.msk [tilespmem:v0+s31+$0xFFFFFFC0 ss:$0x1], $0xffff;
	_ =	sdelay $0x2  }
0xda: {  	v24 =	vadd.f32 v22, v17;
	_ =	sdelay $0x2  }
0xdb: {  	v23 =	vadd.f32 v23, v24;
	_ =	sdelay $0x1  }
0xdc: {  	[tilespmem:s31+$0x1B30] =	vst v23  }
0xdd: {  	v23 =	vld.idx.msk [tilespmem:v0+s31+$0xFFFFFFD0 ss:$0x1], $0xffff;
	_ =	sdelay $0x2  }
0xde: {  	v24 =	vadd.f32 v22, v16;
	_ =	sdelay $0x2  }
0xdf: {  	v23 =	vadd.f32 v23, v24;
	_ =	sdelay $0x1  }
0xe0: {  	[tilespmem:s31+$0x1B40] =	vst v23  }
0xe1: {  	v23 =	vld.idx.msk [tilespmem:v0+s31+$0xFFFFFFE0 ss:$0x1], $0xffff;
	_ =	sdelay $0x2  }
0xe2: {  	v24 =	vadd.f32 v22, v15;
	_ =	sdelay $0x2  }
0xe3: {  	v23 =	vadd.f32 v23, v24;
	_ =	sdelay $0x1  }
0xe4: {  	[tilespmem:s31+$0x1B50] =	vst v23  }
0xe5: {  	v23 =	vld.idx.msk [tilespmem:v0+s31+$0xFFFFFFF0 ss:$0x1], $0xffff;
	_ =	sdelay $0x2  }
0xe6: {  	v24 =	vadd.f32 v22, v14;
	_ =	sdelay $0x2  }
0xe7: {  	v23 =	vadd.f32 v23, v24;
	_ =	sdelay $0x1  }
0xe8: {  	[tilespmem:s31+$0x1B60] =	vst v23  }
0xe9: {  	v23 =	vld.idx.msk [tilespmem:v0+s31+$0x0 ss:$0x1], $0xffff;
	_ =	sdelay $0x2  }
0xea: {  	v24 =	vadd.f32 v22, v13;
	_ =	sdelay $0x2  }
0xeb: {  	v23 =	vadd.f32 v23, v24;
	_ =	sdelay $0x1  }
0xec: {  	[tilespmem:s31+$0x1B70] =	vst v23  }
0xed: {  	v23 =	vld.idx.msk [tilespmem:v1+s31+$0xFFFFFF90 ss:$0x1], $0xffff;
	_ =	sdelay $0x2  }
0xee: {  	v24 =	vadd.f32 v22, v12;
	_ =	sdelay $0x2  }
0xef: {  	v23 =	vadd.f32 v23, v24;
	_ =	sdelay $0x1  }
0xf0: {  	[tilespmem:s31+$0x1F00] =	vst v23  }
0xf1: {  	v23 =	vld.idx.msk [tilespmem:v1+s31+$0xFFFFFFA0 ss:$0x1], $0xffff;
	_ =	sdelay $0x2  }
0xf2: {  	v24 =	vadd.f32 v22, v11;
	_ =	sdelay $0x2  }
0xf3: {  	v23 =	vadd.f32 v23, v24;
	_ =	sdelay $0x1  }
0xf4: {  	[tilespmem:s31+$0x1F10] =	vst v23  }
0xf5: {  	v23 =	vld.idx.msk [tilespmem:v1+s31+$0xFFFFFFB0 ss:$0x1], $0xffff;
	_ =	sdelay $0x2  }
0xf6: {  	v24 =	vadd.f32 v22, v10;
	_ =	sdelay $0x2  }
0xf7: {  	v23 =	vadd.f32 v23, v24;
	_ =	sdelay $0x1  }
0xf8: {  	[tilespmem:s31+$0x1F20] =	vst v23  }
0xf9: {  	v23 =	vld.idx.msk [tilespmem:v1+s31+$0xFFFFFFC0 ss:$0x1], $0xffff;
	_ =	sdelay $0x2  }
0xfa: {  	v24 =	vadd.f32 v22, v9;
	_ =	sdelay $0x2  }
0xfb: {  	v23 =	vadd.f32 v23, v24;
	_ =	sdelay $0x1  }
0xfc: {  	[tilespmem:s31+$0x1F30] =	vst v23  }
0xfd: {  	v23 =	vld.idx.msk [tilespmem:v1+s31+$0xFFFFFFD0 ss:$0x1], $0xffff;
	_ =	sdelay $0x2  }
0xfe: {  	v24 =	vadd.f32 v22, v8;
	_ =	sdelay $0x2  }
0xff: {  	v23 =	vadd.f32 v23, v24;
	_ =	sdelay $0x1  }
0x100: {  	[tilespmem:s31+$0x1F40] =	vst v23  }
0x101: {  	v23 =	vld.idx.msk [tilespmem:v1+s31+$0xFFFFFFE0 ss:$0x1], $0xffff;
	_ =	sdelay $0x2  }
0x102: {  	v24 =	vadd.f32 v22, v7;
	_ =	sdelay $0x2  }
0x103: {  	v23 =	vadd.f32 v23, v24;
	_ =	sdelay $0x1  }
0x104: {  	[tilespmem:s31+$0x1F50] =	vst v23  }
0x105: {  	v23 =	vld.idx.msk [tilespmem:v1+s31+$0xFFFFFFF0 ss:$0x1], $0xffff;
	_ =	sdelay $0x2  }
0x106: {  	v24 =	vadd.f32 v22, v6;
	_ =	sdelay $0x2  }
0x107: {  	v23 =	vadd.f32 v23, v24;
	_ =	sdelay $0x1  }
0x108: {  	[tilespmem:s31+$0x1F60] =	vst v23  }
0x109: {  	v23 =	vld.idx.msk [tilespmem:v1+s31+$0x0 ss:$0x1], $0xffff;
	_ =	sdelay $0x1  }
.Ltmp1:
0x10a: {  	(pc) =	sbr.rel @p0 .LBB2_4-.Ltmp1, $3  }
0x10b: {  	s7 =	sadd.s32 $0x1, s7;
	v24 =	vadd.f32 v22, v5  }
0x10c: {  	v22 =	vmov s7;
	_ =	sdelay $0x1  }
0x10d: {  	v23 =	vadd.f32 v23, v24  }
0x10e: {  	_ =	sdelay $0x2  }
0x10f: {  	[tilespmem:s31+$0x1F70] =	vst v23  }
0x110: {  	v23 =	vld.idx.msk [tilespmem:v22+s20+$0x0], $0xffff  }
0x111: {  	v22 =	vld.idx.msk [tilespmem:v22+s21+$0x0], $0xffff;
	_ =	sdelay $0x4  }
0x112: {  	s0 =	sshra.s32 s0, $0x2;
	v22 =	vadd.f32 v22, v23  }
0x113: {  	v23 =	vld.idx.msk [tilespmem:v0+s0+$0xFFFFFF90 ss:$0x1], $0xffff  }
0x114: {  	v22 =	vadd.f32 v22, v21;
	_ =	sdelay $0x1  }
0x115: {  	v24 =	vadd.f32 v22, v20;
	_ =	sdelay $0x1  }
0x116: {  	v23 =	vadd.f32 v24, v23;
	_ =	sdelay $0x1  }
0x117: {  	[tilespmem:s0+$0x1B00] =	vst v23  }
0x118: {  	v23 =	vld.idx.msk [tilespmem:v0+s0+$0xFFFFFFA0 ss:$0x1], $0xffff;
	_ =	sdelay $0x2  }
0x119: {  	v34 =	vadd.f32 v22, v19;
	_ =	sdelay $0x1  }
0x11a: {  	v23 =	vadd.f32 v34, v23;
	_ =	sdelay $0x1  }
0x11b: {  	[tilespmem:s0+$0x1B10] =	vst v23  }
0x11c: {  	v23 =	vld.idx.msk [tilespmem:v0+s0+$0xFFFFFFB0 ss:$0x1], $0xffff;
	_ =	sdelay $0x2  }
0x11d: {  	v35 =	vadd.f32 v22, v18;
	_ =	sdelay $0x1  }
0x11e: {  	v23 =	vadd.f32 v23, v35;
	_ =	sdelay $0x1  }
0x11f: {  	[tilespmem:s0+$0x1B20] =	vst v23  }
0x120: {  	v23 =	vld.idx.msk [tilespmem:v0+s0+$0xFFFFFFC0 ss:$0x1], $0xffff;
	_ =	sdelay $0x2  }
0x121: {  	v36 =	vadd.f32 v22, v17;
	_ =	sdelay $0x1  }
0x122: {  	v23 =	vadd.f32 v23, v36;
	_ =	sdelay $0x1  }
0x123: {  	[tilespmem:s0+$0x1B30] =	vst v23  }
0x124: {  	v23 =	vld.idx.msk [tilespmem:v0+s0+$0xFFFFFFD0 ss:$0x1], $0xffff;
	_ =	sdelay $0x2  }
0x125: {  	v37 =	vadd.f32 v22, v16;
	_ =	sdelay $0x1  }
0x126: {  	v23 =	vadd.f32 v23, v37;
	_ =	sdelay $0x1  }
0x127: {  	[tilespmem:s0+$0x1B40] =	vst v23  }
0x128: {  	v23 =	vld.idx.msk [tilespmem:v0+s0+$0xFFFFFFE0 ss:$0x1], $0xffff;
	_ =	sdelay $0x2  }
0x129: {  	v38 =	vadd.f32 v22, v15;
	_ =	sdelay $0x1  }
0x12a: {  	v23 =	vadd.f32 v23, v38;
	_ =	sdelay $0x1  }
0x12b: {  	[tilespmem:s0+$0x1B50] =	vst v23  }
0x12c: {  	v23 =	vld.idx.msk [tilespmem:v0+s0+$0xFFFFFFF0 ss:$0x1], $0xffff;
	_ =	sdelay $0x2  }
0x12d: {  	v39 =	vadd.f32 v22, v14;
	_ =	sdelay $0x1  }
0x12e: {  	v23 =	vadd.f32 v23, v39;
	_ =	sdelay $0x1  }
0x12f: {  	[tilespmem:s0+$0x1B60] =	vst v23  }
0x130: {  	v23 =	vld.idx.msk [tilespmem:v0+s0+$0x0 ss:$0x1], $0xffff;
	_ =	sdelay $0x2  }
0x131: {  	v40 =	vadd.f32 v22, v13;
	_ =	sdelay $0x1  }
0x132: {  	v23 =	vadd.f32 v23, v40;
	_ =	sdelay $0x1  }
0x133: {  	[tilespmem:s0+$0x1B70] =	vst v23  }
0x134: {  	v23 =	vld.idx.msk [tilespmem:v1+s0+$0xFFFFFF90 ss:$0x1], $0xffff;
	_ =	sdelay $0x2  }
0x135: {  	v41 =	vadd.f32 v22, v12;
	_ =	sdelay $0x1  }
0x136: {  	v23 =	vadd.f32 v23, v41;
	_ =	sdelay $0x1  }
0x137: {  	[tilespmem:s0+$0x1F00] =	vst v23  }
0x138: {  	v23 =	vld.idx.msk [tilespmem:v1+s0+$0xFFFFFFA0 ss:$0x1], $0xffff;
	_ =	sdelay $0x2  }
0x139: {  	v42 =	vadd.f32 v22, v11;
	_ =	sdelay $0x1  }
0x13a: {  	v23 =	vadd.f32 v23, v42;
	_ =	sdelay $0x1  }
0x13b: {  	[tilespmem:s0+$0x1F10] =	vst v23  }
0x13c: {  	v23 =	vld.idx.msk [tilespmem:v1+s0+$0xFFFFFFB0 ss:$0x1], $0xffff;
	_ =	sdelay $0x2  }
0x13d: {  	v43 =	vadd.f32 v22, v10;
	_ =	sdelay $0x1  }
0x13e: {  	v23 =	vadd.f32 v23, v43;
	_ =	sdelay $0x1  }
0x13f: {  	[tilespmem:s0+$0x1F20] =	vst v23  }
0x140: {  	v23 =	vld.idx.msk [tilespmem:v1+s0+$0xFFFFFFC0 ss:$0x1], $0xffff;
	_ =	sdelay $0x2  }
0x141: {  	v44 =	vadd.f32 v22, v9;
	_ =	sdelay $0x1  }
0x142: {  	v23 =	vadd.f32 v23, v44;
	_ =	sdelay $0x1  }
0x143: {  	[tilespmem:s0+$0x1F30] =	vst v23  }
0x144: {  	v23 =	vld.idx.msk [tilespmem:v1+s0+$0xFFFFFFD0 ss:$0x1], $0xffff;
	_ =	sdelay $0x2  }
0x145: {  	v45 =	vadd.f32 v22, v8;
	_ =	sdelay $0x1  }
0x146: {  	v23 =	vadd.f32 v23, v45;
	_ =	sdelay $0x1  }
0x147: {  	[tilespmem:s0+$0x1F40] =	vst v23  }
0x148: {  	v23 =	vld.idx.msk [tilespmem:v1+s0+$0xFFFFFFE0 ss:$0x1], $0xffff;
	_ =	sdelay $0x2  }
0x149: {  	v46 =	vadd.f32 v22, v7;
	_ =	sdelay $0x1  }
0x14a: {  	v23 =	vadd.f32 v23, v46;
	_ =	sdelay $0x1  }
0x14b: {  	[tilespmem:s0+$0x1F50] =	vst v23  }
0x14c: {  	v23 =	vld.idx.msk [tilespmem:v1+s0+$0xFFFFFFF0 ss:$0x1], $0xffff;
	_ =	sdelay $0x2  }
0x14d: {  	v47 =	vadd.f32 v22, v6;
	_ =	sdelay $0x1  }
0x14e: {  	v23 =	vadd.f32 v23, v47;
	_ =	sdelay $0x1  }
0x14f: {  	[tilespmem:s0+$0x1F60] =	vst v23  }
0x150: {  	v23 =	vld.idx.msk [tilespmem:v1+s0+$0x0 ss:$0x1], $0xffff;
	_ =	sdelay $0x2  }
0x151: {  	v22 =	vadd.f32 v22, v5;
	_ =	sdelay $0x1  }
0x152: {  	v22 =	vadd.f32 v23, v22  }
0x153: {  	v23 =	vmov s14  }
0x154: {  	s7 =	simm.s32 $0x0;
	[tilespmem:s0+$0x1F70] =	vst v22  }
0x155: {  	[hbm4b:s10+s7] =	stream.linear.scatter [tilespmem:s25], [sflag:$0x2], $0x200, $0x200038;
	[tilespmem:$0x2300] =	vst v63  }
0x156: {  	s1 =	sadd.s32 $0x80, s10  }
0x157: {  	[hbm4b:s1+s7] =	stream.linear.scatter [tilespmem:s26], [sflag:$0x2], $0x200, $0x200038;
	[tilespmem:$0x2300] =	vst v63  }
0x158: {  	v22 =	vld.idx.msk [tilespmem:v23+s20+$0x0], $0xffff  }
0x159: {  	v23 =	vld.idx.msk [tilespmem:v23+s21+$0x0], $0xffff;
	_ =	sdelay $0x4  }
0x15a: {  	s31 =	simm.s32 $0x0;
	v22 =	vadd.f32 v23, v22  }
0x15b: {  	v23 =	vld.idx.msk [tilespmem:v2+s31+$0xFFFFFF90 ss:$0x1], $0xffff  }
0x15c: {  	v22 =	vadd.f32 v22, v21;
	_ =	sdelay $0x1  }
0x15d: {  	v48 =	vadd.f32 v22, v20;
	_ =	sdelay $0x1  }
0x15e: {  	v23 =	vadd.f32 v48, v23;
	_ =	sdelay $0x1  }
0x15f: {  	[tilespmem:s31+$0x1D00] =	vst v23  }
0x160: {  	v23 =	vld.idx.msk [tilespmem:v2+s31+$0xFFFFFFA0 ss:$0x1], $0xffff;
	_ =	sdelay $0x2  }
0x161: {  	v49 =	vadd.f32 v22, v19;
	_ =	sdelay $0x1  }
0x162: {  	v23 =	vadd.f32 v49, v23;
	_ =	sdelay $0x1  }
0x163: {  	[tilespmem:s31+$0x1D10] =	vst v23  }
0x164: {  	v23 =	vld.idx.msk [tilespmem:v2+s31+$0xFFFFFFB0 ss:$0x1], $0xffff;
	_ =	sdelay $0x2  }
0x165: {  	v50 =	vadd.f32 v22, v18;
	_ =	sdelay $0x1  }
0x166: {  	v23 =	vadd.f32 v23, v50;
	_ =	sdelay $0x1  }
0x167: {  	[tilespmem:s31+$0x1D20] =	vst v23  }
0x168: {  	v23 =	vld.idx.msk [tilespmem:v2+s31+$0xFFFFFFC0 ss:$0x1], $0xffff;
	_ =	sdelay $0x2  }
0x169: {  	v51 =	vadd.f32 v22, v17;
	_ =	sdelay $0x1  }
0x16a: {  	v23 =	vadd.f32 v23, v51;
	_ =	sdelay $0x1  }
0x16b: {  	[tilespmem:s31+$0x1D30] =	vst v23  }
0x16c: {  	v23 =	vld.idx.msk [tilespmem:v2+s31+$0xFFFFFFD0 ss:$0x1], $0xffff;
	_ =	sdelay $0x2  }
0x16d: {  	v52 =	vadd.f32 v22, v16;
	_ =	sdelay $0x1  }
0x16e: {  	v23 =	vadd.f32 v23, v52;
	_ =	sdelay $0x1  }
0x16f: {  	[tilespmem:s31+$0x1D40] =	vst v23  }
0x170: {  	v23 =	vld.idx.msk [tilespmem:v2+s31+$0xFFFFFFE0 ss:$0x1], $0xffff;
	_ =	sdelay $0x2  }
0x171: {  	v53 =	vadd.f32 v22, v15;
	_ =	sdelay $0x1  }
0x172: {  	v23 =	vadd.f32 v23, v53;
	_ =	sdelay $0x1  }
0x173: {  	[tilespmem:s31+$0x1D50] =	vst v23  }
0x174: {  	v23 =	vld.idx.msk [tilespmem:v2+s31+$0xFFFFFFF0 ss:$0x1], $0xffff;
	_ =	sdelay $0x2  }
0x175: {  	v54 =	vadd.f32 v22, v14;
	_ =	sdelay $0x1  }
0x176: {  	v23 =	vadd.f32 v23, v54;
	_ =	sdelay $0x1  }
0x177: {  	[tilespmem:s31+$0x1D60] =	vst v23  }
0x178: {  	v23 =	vld.idx.msk [tilespmem:v2+s31+$0x0 ss:$0x1], $0xffff;
	_ =	sdelay $0x2  }
0x179: {  	v55 =	vadd.f32 v22, v13;
	_ =	sdelay $0x1  }
0x17a: {  	v23 =	vadd.f32 v23, v55;
	_ =	sdelay $0x1  }
0x17b: {  	[tilespmem:s31+$0x1D70] =	vst v23  }
0x17c: {  	v23 =	vld.idx.msk [tilespmem:v3+s31+$0xFFFFFF90 ss:$0x1], $0xffff;
	_ =	sdelay $0x2  }
0x17d: {  	v56 =	vadd.f32 v22, v12;
	_ =	sdelay $0x1  }
0x17e: {  	v23 =	vadd.f32 v23, v56;
	_ =	sdelay $0x1  }
0x17f: {  	[tilespmem:s31+$0x2100] =	vst v23  }
0x180: {  	v23 =	vld.idx.msk [tilespmem:v3+s31+$0xFFFFFFA0 ss:$0x1], $0xffff;
	_ =	sdelay $0x2  }
0x181: {  	v57 =	vadd.f32 v22, v11;
	_ =	sdelay $0x1  }
0x182: {  	v23 =	vadd.f32 v23, v57;
	_ =	sdelay $0x1  }
0x183: {  	[tilespmem:s31+$0x2110] =	vst v23  }
0x184: {  	v23 =	vld.idx.msk [tilespmem:v3+s31+$0xFFFFFFB0 ss:$0x1], $0xffff;
	_ =	sdelay $0x2  }
0x185: {  	v58 =	vadd.f32 v22, v10;
	_ =	sdelay $0x1  }
0x186: {  	v23 =	vadd.f32 v23, v58;
	_ =	sdelay $0x1  }
0x187: {  	[tilespmem:s31+$0x2120] =	vst v23  }
0x188: {  	v23 =	vld.idx.msk [tilespmem:v3+s31+$0xFFFFFFC0 ss:$0x1], $0xffff;
	_ =	sdelay $0x2  }
0x189: {  	v59 =	vadd.f32 v22, v9;
	_ =	sdelay $0x1  }
0x18a: {  	v23 =	vadd.f32 v23, v59;
	_ =	sdelay $0x1  }
0x18b: {  	[tilespmem:s31+$0x2130] =	vst v23  }
0x18c: {  	v23 =	vld.idx.msk [tilespmem:v3+s31+$0xFFFFFFD0 ss:$0x1], $0xffff;
	_ =	sdelay $0x2  }
0x18d: {  	v60 =	vadd.f32 v22, v8;
	_ =	sdelay $0x1  }
0x18e: {  	v23 =	vadd.f32 v23, v60;
	_ =	sdelay $0x1  }
0x18f: {  	[tilespmem:s31+$0x2140] =	vst v23  }
0x190: {  	v23 =	vld.idx.msk [tilespmem:v3+s31+$0xFFFFFFE0 ss:$0x1], $0xffff;
	_ =	sdelay $0x2  }
0x191: {  	v61 =	vadd.f32 v22, v7;
	_ =	sdelay $0x1  }
0x192: {  	v23 =	vadd.f32 v23, v61;
	_ =	sdelay $0x1  }
0x193: {  	[tilespmem:s31+$0x2150] =	vst v23  }
0x194: {  	v23 =	vld.idx.msk [tilespmem:v3+s31+$0xFFFFFFF0 ss:$0x1], $0xffff;
	_ =	sdelay $0x2  }
0x195: {  	v62 =	vadd.f32 v22, v6;
	_ =	sdelay $0x1  }
0x196: {  	v23 =	vadd.f32 v23, v62;
	_ =	sdelay $0x1  }
0x197: {  	[tilespmem:s31+$0x2160] =	vst v23  }
0x198: {  	v23 =	vld.idx.msk [tilespmem:v3+s31+$0x0 ss:$0x1], $0xffff;
	_ =	sdelay $0x1  }
0x199: {  	s7 =	sadd.s32 $0x1, s14  }
0x19a: {  	v63 =	vadd.f32 v22, v5;
	v22 =	vmov s7;
	_ =	sdelay $0x1  }
0x19b: {  	s0 =	simm.s32 $0x200;
	s1 =	simm.s32 $0x400;
	v23 =	vadd.f32 v23, v63  }
.LBB2_6:
0x19c: {  	p0 =	sne.s32 s1, $0x600;
	s2 =	smov.u32 s1;
	s1 =	sadd.s32 $0x200, s1  }
0x19d: {  	[tilespmem:s31+$0x2170] =	vst v23  }
0x19e: {  	v23 =	vld.idx.msk [tilespmem:v22+s20+$0x0], $0xffff  }
0x19f: {  	v22 =	vld.idx.msk [tilespmem:v22+s21+$0x0], $0xffff;
	_ =	sdelay $0x3  }
0x1a0: {  	s31 =	sshra.s32 s0, $0x2;
	s0 =	smov.u32 s2  }
0x1a1: {  	v24 =	vld.idx.msk [tilespmem:v2+s31+$0xFFFFFF90 ss:$0x1], $0xffff  }
0x1a2: {  	v22 =	vadd.f32 v22, v23;
	_ =	sdelay $0x1  }
0x1a3: {  	v22 =	vadd.f32 v22, v21;
	_ =	sdelay $0x1  }
0x1a4: {  	v23 =	vadd.f32 v22, v20;
	_ =	sdelay $0x1  }
0x1a5: {  	v23 =	vadd.f32 v23, v24;
	_ =	sdelay $0x1  }
0x1a6: {  	[tilespmem:s31+$0x1D00] =	vst v23  }
0x1a7: {  	v23 =	vld.idx.msk [tilespmem:v2+s31+$0xFFFFFFA0 ss:$0x1], $0xffff;
	_ =	sdelay $0x2  }
0x1a8: {  	v24 =	vadd.f32 v22, v19;
	_ =	sdelay $0x2  }
0x1a9: {  	v23 =	vadd.f32 v24, v23;
	_ =	sdelay $0x1  }
0x1aa: {  	[tilespmem:s31+$0x1D10] =	vst v23  }
0x1ab: {  	v23 =	vld.idx.msk [tilespmem:v2+s31+$0xFFFFFFB0 ss:$0x1], $0xffff;
	_ =	sdelay $0x2  }
0x1ac: {  	v24 =	vadd.f32 v22, v18;
	_ =	sdelay $0x2  }
0x1ad: {  	v23 =	vadd.f32 v23, v24;
	_ =	sdelay $0x1  }
0x1ae: {  	[tilespmem:s31+$0x1D20] =	vst v23  }
0x1af: {  	v23 =	vld.idx.msk [tilespmem:v2+s31+$0xFFFFFFC0 ss:$0x1], $0xffff;
	_ =	sdelay $0x2  }
0x1b0: {  	v24 =	vadd.f32 v22, v17;
	_ =	sdelay $0x2  }
0x1b1: {  	v23 =	vadd.f32 v23, v24;
	_ =	sdelay $0x1  }
0x1b2: {  	[tilespmem:s31+$0x1D30] =	vst v23  }
0x1b3: {  	v23 =	vld.idx.msk [tilespmem:v2+s31+$0xFFFFFFD0 ss:$0x1], $0xffff;
	_ =	sdelay $0x2  }
0x1b4: {  	v24 =	vadd.f32 v22, v16;
	_ =	sdelay $0x2  }
0x1b5: {  	v23 =	vadd.f32 v23, v24;
	_ =	sdelay $0x1  }
0x1b6: {  	[tilespmem:s31+$0x1D40] =	vst v23  }
0x1b7: {  	v23 =	vld.idx.msk [tilespmem:v2+s31+$0xFFFFFFE0 ss:$0x1], $0xffff;
	_ =	sdelay $0x2  }
0x1b8: {  	v24 =	vadd.f32 v22, v15;
	_ =	sdelay $0x2  }
0x1b9: {  	v23 =	vadd.f32 v23, v24;
	_ =	sdelay $0x1  }
0x1ba: {  	[tilespmem:s31+$0x1D50] =	vst v23  }
0x1bb: {  	v23 =	vld.idx.msk [tilespmem:v2+s31+$0xFFFFFFF0 ss:$0x1], $0xffff;
	_ =	sdelay $0x2  }
0x1bc: {  	v24 =	vadd.f32 v22, v14;
	_ =	sdelay $0x2  }
0x1bd: {  	v23 =	vadd.f32 v23, v24;
	_ =	sdelay $0x1  }
0x1be: {  	[tilespmem:s31+$0x1D60] =	vst v23  }
0x1bf: {  	v23 =	vld.idx.msk [tilespmem:v2+s31+$0x0 ss:$0x1], $0xffff;
	_ =	sdelay $0x2  }
0x1c0: {  	v24 =	vadd.f32 v22, v13;
	_ =	sdelay $0x2  }
0x1c1: {  	v23 =	vadd.f32 v23, v24;
	_ =	sdelay $0x1  }
0x1c2: {  	[tilespmem:s31+$0x1D70] =	vst v23  }
0x1c3: {  	v23 =	vld.idx.msk [tilespmem:v3+s31+$0xFFFFFF90 ss:$0x1], $0xffff;
	_ =	sdelay $0x2  }
0x1c4: {  	v24 =	vadd.f32 v22, v12;
	_ =	sdelay $0x2  }
0x1c5: {  	v23 =	vadd.f32 v23, v24;
	_ =	sdelay $0x1  }
0x1c6: {  	[tilespmem:s31+$0x2100] =	vst v23  }
0x1c7: {  	v23 =	vld.idx.msk [tilespmem:v3+s31+$0xFFFFFFA0 ss:$0x1], $0xffff;
	_ =	sdelay $0x2  }
0x1c8: {  	v24 =	vadd.f32 v22, v11;
	_ =	sdelay $0x2  }
0x1c9: {  	v23 =	vadd.f32 v23, v24;
	_ =	sdelay $0x1  }
0x1ca: {  	[tilespmem:s31+$0x2110] =	vst v23  }
0x1cb: {  	v23 =	vld.idx.msk [tilespmem:v3+s31+$0xFFFFFFB0 ss:$0x1], $0xffff;
	_ =	sdelay $0x2  }
0x1cc: {  	v24 =	vadd.f32 v22, v10;
	_ =	sdelay $0x2  }
0x1cd: {  	v23 =	vadd.f32 v23, v24;
	_ =	sdelay $0x1  }
0x1ce: {  	[tilespmem:s31+$0x2120] =	vst v23  }
0x1cf: {  	v23 =	vld.idx.msk [tilespmem:v3+s31+$0xFFFFFFC0 ss:$0x1], $0xffff;
	_ =	sdelay $0x2  }
0x1d0: {  	v24 =	vadd.f32 v22, v9;
	_ =	sdelay $0x2  }
0x1d1: {  	v23 =	vadd.f32 v23, v24;
	_ =	sdelay $0x1  }
0x1d2: {  	[tilespmem:s31+$0x2130] =	vst v23  }
0x1d3: {  	v23 =	vld.idx.msk [tilespmem:v3+s31+$0xFFFFFFD0 ss:$0x1], $0xffff;
	_ =	sdelay $0x2  }
0x1d4: {  	v24 =	vadd.f32 v22, v8;
	_ =	sdelay $0x2  }
0x1d5: {  	v23 =	vadd.f32 v23, v24;
	_ =	sdelay $0x1  }
0x1d6: {  	[tilespmem:s31+$0x2140] =	vst v23  }
0x1d7: {  	v23 =	vld.idx.msk [tilespmem:v3+s31+$0xFFFFFFE0 ss:$0x1], $0xffff;
	_ =	sdelay $0x2  }
0x1d8: {  	v24 =	vadd.f32 v22, v7;
	_ =	sdelay $0x2  }
0x1d9: {  	v23 =	vadd.f32 v23, v24;
	_ =	sdelay $0x1  }
0x1da: {  	[tilespmem:s31+$0x2150] =	vst v23  }
0x1db: {  	v23 =	vld.idx.msk [tilespmem:v3+s31+$0xFFFFFFF0 ss:$0x1], $0xffff;
	_ =	sdelay $0x2  }
0x1dc: {  	v24 =	vadd.f32 v22, v6;
	_ =	sdelay $0x2  }
0x1dd: {  	v23 =	vadd.f32 v23, v24;
	_ =	sdelay $0x1  }
0x1de: {  	[tilespmem:s31+$0x2160] =	vst v23  }
0x1df: {  	v23 =	vld.idx.msk [tilespmem:v3+s31+$0x0 ss:$0x1], $0xffff;
	_ =	sdelay $0x1  }
.Ltmp2:
0x1e0: {  	(pc) =	sbr.rel @p0 .LBB2_6-.Ltmp2, $3  }
0x1e1: {  	s7 =	sadd.s32 $0x1, s7;
	v24 =	vadd.f32 v22, v5  }
0x1e2: {  	v22 =	vmov s7;
	_ =	sdelay $0x1  }
0x1e3: {  	v23 =	vadd.f32 v23, v24  }
0x1e4: {  	_ =	sdelay $0x2  }
0x1e5: {  	[tilespmem:s31+$0x2170] =	vst v23  }
0x1e6: {  	v23 =	vld.idx.msk [tilespmem:v22+s20+$0x0], $0xffff  }
0x1e7: {  	v62 =	vld.idx.msk [tilespmem:v22+s21+$0x0], $0xffff;
	_ =	sdelay $0x4  }
0x1e8: {  	s0 =	sshra.s32 s0, $0x2;
	v22 =	vadd.f32 v62, v23  }
0x1e9: {  	v63 =	vld.idx.msk [tilespmem:v2+s0+$0xFFFFFF90 ss:$0x1], $0xffff  }
0x1ea: {  	v21 =	vadd.f32 v22, v21;
	_ =	sdelay $0x1  }
0x1eb: {  	v20 =	vadd.f32 v21, v20;
	_ =	sdelay $0x1  }
0x1ec: {  	v20 =	vadd.f32 v20, v63;
	_ =	sdelay $0x1  }
0x1ed: {  	[tilespmem:s0+$0x1D00] =	vst v20  }
0x1ee: {  	v20 =	vld.idx.msk [tilespmem:v2+s0+$0xFFFFFFA0 ss:$0x1], $0xffff;
	_ =	sdelay $0x2  }
0x1ef: {  	v19 =	vadd.f32 v21, v19;
	_ =	sdelay $0x1  }
0x1f0: {  	v19 =	vadd.f32 v19, v20;
	_ =	sdelay $0x1  }
0x1f1: {  	[tilespmem:s0+$0x1D10] =	vst v19  }
0x1f2: {  	v19 =	vld.idx.msk [tilespmem:v2+s0+$0xFFFFFFB0 ss:$0x1], $0xffff;
	_ =	sdelay $0x2  }
0x1f3: {  	v18 =	vadd.f32 v21, v18;
	_ =	sdelay $0x1  }
0x1f4: {  	v18 =	vadd.f32 v19, v18;
	_ =	sdelay $0x1  }
0x1f5: {  	[tilespmem:s0+$0x1D20] =	vst v18  }
0x1f6: {  	v18 =	vld.idx.msk [tilespmem:v2+s0+$0xFFFFFFC0 ss:$0x1], $0xffff;
	_ =	sdelay $0x2  }
0x1f7: {  	v17 =	vadd.f32 v21, v17;
	_ =	sdelay $0x1  }
0x1f8: {  	v17 =	vadd.f32 v18, v17;
	_ =	sdelay $0x1  }
0x1f9: {  	[tilespmem:s0+$0x1D30] =	vst v17  }
0x1fa: {  	v17 =	vld.idx.msk [tilespmem:v2+s0+$0xFFFFFFD0 ss:$0x1], $0xffff;
	_ =	sdelay $0x2  }
0x1fb: {  	v16 =	vadd.f32 v21, v16;
	_ =	sdelay $0x1  }
0x1fc: {  	v16 =	vadd.f32 v17, v16;
	_ =	sdelay $0x1  }
0x1fd: {  	[tilespmem:s0+$0x1D40] =	vst v16  }
0x1fe: {  	v16 =	vld.idx.msk [tilespmem:v2+s0+$0xFFFFFFE0 ss:$0x1], $0xffff;
	_ =	sdelay $0x2  }
0x1ff: {  	v15 =	vadd.f32 v21, v15;
	_ =	sdelay $0x1  }
0x200: {  	v15 =	vadd.f32 v16, v15;
	_ =	sdelay $0x1  }
0x201: {  	[tilespmem:s0+$0x1D50] =	vst v15  }
0x202: {  	v15 =	vld.idx.msk [tilespmem:v2+s0+$0xFFFFFFF0 ss:$0x1], $0xffff;
	_ =	sdelay $0x2  }
0x203: {  	v14 =	vadd.f32 v21, v14;
	_ =	sdelay $0x1  }
0x204: {  	v14 =	vadd.f32 v15, v14;
	_ =	sdelay $0x1  }
0x205: {  	[tilespmem:s0+$0x1D60] =	vst v14  }
0x206: {  	v14 =	vld.idx.msk [tilespmem:v2+s0+$0x0 ss:$0x1], $0xffff;
	_ =	sdelay $0x2  }
0x207: {  	v13 =	vadd.f32 v21, v13;
	_ =	sdelay $0x1  }
0x208: {  	v13 =	vadd.f32 v14, v13;
	_ =	sdelay $0x1  }
0x209: {  	[tilespmem:s0+$0x1D70] =	vst v13  }
0x20a: {  	v13 =	vld.idx.msk [tilespmem:v3+s0+$0xFFFFFF90 ss:$0x1], $0xffff;
	_ =	sdelay $0x2  }
0x20b: {  	v12 =	vadd.f32 v21, v12;
	_ =	sdelay $0x1  }
0x20c: {  	v12 =	vadd.f32 v13, v12;
	_ =	sdelay $0x1  }
0x20d: {  	[tilespmem:s0+$0x2100] =	vst v12  }
0x20e: {  	v12 =	vld.idx.msk [tilespmem:v3+s0+$0xFFFFFFA0 ss:$0x1], $0xffff;
	_ =	sdelay $0x2  }
0x20f: {  	v11 =	vadd.f32 v21, v11;
	_ =	sdelay $0x1  }
0x210: {  	v11 =	vadd.f32 v12, v11;
	_ =	sdelay $0x1  }
0x211: {  	[tilespmem:s0+$0x2110] =	vst v11  }
0x212: {  	v11 =	vld.idx.msk [tilespmem:v3+s0+$0xFFFFFFB0 ss:$0x1], $0xffff;
	_ =	sdelay $0x2  }
0x213: {  	v10 =	vadd.f32 v21, v10;
	_ =	sdelay $0x1  }
0x214: {  	v10 =	vadd.f32 v11, v10;
	_ =	sdelay $0x1  }
0x215: {  	[tilespmem:s0+$0x2120] =	vst v10  }
0x216: {  	v10 =	vld.idx.msk [tilespmem:v3+s0+$0xFFFFFFC0 ss:$0x1], $0xffff;
	_ =	sdelay $0x2  }
0x217: {  	v9 =	vadd.f32 v21, v9;
	_ =	sdelay $0x1  }
0x218: {  	v9 =	vadd.f32 v10, v9;
	_ =	sdelay $0x1  }
0x219: {  	[tilespmem:s0+$0x2130] =	vst v9  }
0x21a: {  	v9 =	vld.idx.msk [tilespmem:v3+s0+$0xFFFFFFD0 ss:$0x1], $0xffff;
	_ =	sdelay $0x2  }
0x21b: {  	v8 =	vadd.f32 v21, v8;
	_ =	sdelay $0x1  }
0x21c: {  	v8 =	vadd.f32 v9, v8;
	_ =	sdelay $0x1  }
0x21d: {  	[tilespmem:s0+$0x2140] =	vst v8  }
0x21e: {  	v8 =	vld.idx.msk [tilespmem:v3+s0+$0xFFFFFFE0 ss:$0x1], $0xffff;
	_ =	sdelay $0x2  }
0x21f: {  	v7 =	vadd.f32 v21, v7;
	_ =	sdelay $0x1  }
0x220: {  	v7 =	vadd.f32 v8, v7;
	_ =	sdelay $0x1  }
0x221: {  	[tilespmem:s0+$0x2150] =	vst v7  }
0x222: {  	v7 =	vld.idx.msk [tilespmem:v3+s0+$0xFFFFFFF0 ss:$0x1], $0xffff;
	_ =	sdelay $0x2  }
0x223: {  	v6 =	vadd.f32 v21, v6;
	_ =	sdelay $0x1  }
0x224: {  	v6 =	vadd.f32 v7, v6;
	_ =	sdelay $0x1  }
0x225: {  	[tilespmem:s0+$0x2160] =	vst v6  }
0x226: {  	v6 =	vld.idx.msk [tilespmem:v3+s0+$0x0 ss:$0x1], $0xffff;
	_ =	sdelay $0x2  }
0x227: {  	v5 =	vadd.f32 v21, v5;
	_ =	sdelay $0x1  }
0x228: {  	v5 =	vadd.f32 v6, v5;
	_ =	sdelay $0x1  }
0x229: {  	[tilespmem:s0+$0x2170] =	vst v5  }
0x22a: {  	[hbm4b:s12+s6] =	stream.linear.scatter [tilespmem:s28], [sflag:$0x2], $0x200, $0x200038;
	[tilespmem:$0x2300] =	vst v63  }
0x22b: {  	s31 =	sadd.s32 $0x80, s12  }
0x22c: {  	[hbm4b:s31+s6] =	stream.linear.scatter [tilespmem:s29], [sflag:$0x2], $0x200, $0x200038;
	[tilespmem:$0x2300] =	vst v63  }
0x22d: {  	_ =	strace $0x9000004C  }
0x22e: {  	_ =	strace $0x8000004D  }
0x22f: {  	s30 =	sadd.s32 $0x1, s30;
	_ =	swait.ge [sflag:s23], $0x400  }
0x230: {  	p0 =	sne.s32 s30, s13;
	[sflag:s23] =	ssyncset.done $0x0  }
.Ltmp3:
0x231: {  	[sflag:s23] =	ssyncadd.s32 $0xFFFFFC00;
	(pc) =	sbr.rel @p0 .LBB2_1-.Ltmp3, $4  }
0x232: {  	_ =	swait.ge [sflag:s23], $0x400  }
0x233: {  	[sflag:s23] =	ssyncset.done $0x0  }
0x234: {  	[sflag:s23] =	ssyncadd.s32 $0xFFFFFC00  }
0x235: {  	_ =	strace $0x9000004D  }
0x236: {  	_ =	sfence.sel $0x180000  }
0x237: {  	[bflag:$0x0] =	sbarrier.arrive $0xFFFF  }
0x238: {  	_ =	strace $0x90000047  }
0x239: {  	s0 =	stileid.u32;
	[bflag:$0x2] =	sbarrier.arrive $0xFFFF  }
0x23a: {  	p0 =	sne.s32 s0, $0x0;
	s0 =	rddreg [dreg:$0x8]  }
0x23b: {  	s0 =	sadd.s32 @!p0 $0x100000, s0  }
0x23c: {  	[sflag:s0] =	ssyncadd.tile.s32 @!p0 $0x1;
	_ =	shalt  }
.Lfunc_end2:
_tile_overlayer_lowered:
.L_overlay_start_2:
0x23d: {  	(tag) =	ssettag $0x2  }
0x23e: {  	s0 =	rddreg [dreg:$0x0];
	s2 =	stileid.u32  }
0x23f: {  	s1 =	rddreg [dreg:$0x1];
	p0 =	sne.s32 s2, $0x0  }
0x240: {  	s3 =	rddreg [dreg:$0x2];
	[bflag:$0x3] =	sbarrier.arrive $0xFFFF;
	s2 =	simm.s32 @!p0 $0x1C04  }
0x241: {  	[timem:s3], [sflag:s2] =	dma.local @!p0 [hbm:s0], s1  }
0x242: {  	s0 =	simm.s32 @!p0 $0x4  }
0x243: {  	_ =	swait.ge @!p0 [sflag:s0], s1  }
0x244: {  	s1 =	ssub.s32 @!p0 $0x0, s1;
	[sflag:s0] =	ssyncset.done @!p0 $0x0  }
0x245: {  	[sflag:s0] =	ssyncadd.s32 @!p0 s1  }
0x246: {  	[bflag:$0x3] =	sbarrier.arrive $0xFFFF  }
0x247: {  	_ =	shalt  }

</sc_bundles>
